<compile_context>
chip_gen: v7x
topology: tpu7x:2x2x1
jax: 0.10.2.dev20260603
libtpu: 0.0.44.dev20260713+nightly
codegen_flags: <defaults>
</compile_context>

<pallas_src>
import functools

import jax
import jax.numpy as jnp
from jax import lax
from jax.experimental import pallas as pl
from jax.experimental.pallas import tpu as pltpu
from jax.experimental.pallas import tpu_sc as plsc

EPS = 1e-12

_NUM_CORES = 2
_NUM_SUBCORES = 16
_NW = _NUM_CORES * _NUM_SUBCORES

_CHUNK = 64

_PIPE_CHUNKS = (1024, 1024, 1024, 1024)

_BS = 1024


def _sc_gather(table, idx):
    tok, h = idx.shape[0], table.shape[1]
    per_w = tok // _NW
    chunk = min(_CHUNK, per_w)
    n_chunks = per_w // chunk
    assert per_w % chunk == 0

    mesh = plsc.VectorSubcoreMesh(
        core_axis_name="c", subcore_axis_name="s",
        num_cores=_NUM_CORES, num_subcores=_NUM_SUBCORES)

    @functools.partial(
        pl.kernel,
        mesh=mesh,
        out_type=jax.ShapeDtypeStruct((tok, h), jnp.float32),
        scratch_types=[
            pltpu.VMEM((per_w,), jnp.int32),
            pltpu.VMEM((chunk, h), jnp.float32),
            pltpu.VMEM((chunk, h), jnp.float32),
            pltpu.SemaphoreType.DMA,
            pltpu.SemaphoreType.DMA,
        ],
    )
    def gather_kernel(table_hbm, idx_hbm, out_hbm, idx_v, buf0, buf1, sem0, sem1):
        wid = lax.axis_index("s") * _NUM_CORES + lax.axis_index("c")
        base = wid * per_w
        pltpu.sync_copy(idx_hbm.at[pl.ds(base, per_w)], idx_v)

        bufs = (buf0, buf1)
        sems = (sem0, sem1)
        copies = [None, None]
        copies[0] = pltpu.async_copy(
            table_hbm.at[idx_v.at[pl.ds(0, chunk)]], bufs[0], sems[0])
        for c in range(1, n_chunks):
            copies[c % 2] = pltpu.async_copy(
                table_hbm.at[idx_v.at[pl.ds(c * chunk, chunk)]],
                bufs[c % 2], sems[c % 2])
            copies[(c - 1) % 2].wait()
            pltpu.sync_copy(
                bufs[(c - 1) % 2],
                out_hbm.at[pl.ds(base + (c - 1) * chunk, chunk)])
        copies[(n_chunks - 1) % 2].wait()
        pltpu.sync_copy(
            bufs[(n_chunks - 1) % 2],
            out_hbm.at[pl.ds(base + (n_chunks - 1) * chunk, chunk)])

    return gather_kernel(table, idx)


def _ln_body(x_ref, pos_ref, g_ref, b_ref, o_ref):
    xv = x_ref[0] + pos_ref[...]
    mean = jnp.mean(xv, axis=-1, keepdims=True)
    xc = xv - mean
    var = jnp.mean(xc * xc, axis=-1, keepdims=True)
    inv = lax.rsqrt(var + EPS)
    o_ref[0] = (xc * inv) * g_ref[...] + b_ref[...]


def _add_ln_chunk(x_c, pos, gamma, beta, out_buf, seq_start, out_seq):
    b, sc, h = x_c.shape
    bs = min(_BS, sc)
    nblk = sc // bs
    off = seq_start // bs
    grid = (nblk, b)

    in_specs = [
        pl.BlockSpec((1, bs, h), lambda i, j: (j, i, 0)),
        pl.BlockSpec((bs, h), lambda i, j: (off + i, 0)),
        pl.BlockSpec((1, h), lambda i, j: (0, 0)),
        pl.BlockSpec((1, h), lambda i, j: (0, 0)),
    ]
    args = [x_c, pos, gamma, beta]
    aliases = {}
    body = _ln_body
    if out_buf is not None:
        in_specs.append(pl.BlockSpec(memory_space=pl.ANY))
        args.append(out_buf)
        aliases = {4: 0}
        body = lambda x, p, g, bt, _, o: _ln_body(x, p, g, bt, o)

    return pl.pallas_call(
        body,
        grid=grid,
        in_specs=in_specs,
        out_specs=pl.BlockSpec((1, bs, h), lambda i, j: (j, off + i, 0)),
        out_shape=jax.ShapeDtypeStruct((b, out_seq, h), jnp.float32),
        input_output_aliases=aliases,
    )(*args)


def kernel(input_ids, word_table, pos_table, ln_gamma, ln_beta):
    b, s = input_ids.shape
    h = word_table.shape[1]
    assert sum(_PIPE_CHUNKS) == s
    gamma2 = ln_gamma.reshape(1, h)
    beta2 = ln_beta.reshape(1, h)
    ids32 = input_ids.astype(jnp.int32)
    pos = pos_table[:s]

    starts = [sum(_PIPE_CHUNKS[:c]) for c in range(len(_PIPE_CHUNKS))]
    gathered = [
        _sc_gather(word_table,
                   lax.slice(ids32, (0, st), (b, st + sc)).reshape(-1))
        for st, sc in zip(starts, _PIPE_CHUNKS)
    ]
    out = None
    for g, st, sc in zip(gathered, starts, _PIPE_CHUNKS):
        out = _add_ln_chunk(g.reshape(b, sc, h), pos, gamma2, beta2, out, st, s)
    return out

# --- scband reference (transcript-rebuilt; emitter-appended) ---
"""Pipeline reference for scband-transformer-embeddings-45457933861015 (READ-ONLY COPY).

The authoritative reference and input builder live on the scoring server;
editing this copy changes nothing except your own understanding.
"""

import jax, jax.numpy as jnp
import numpy as np

VOCAB = 100000
HIDDEN = 768
MAX_POS = 4096
BATCH = 4
SEQ = 4096
EPS = 1e-12

def setup_inputs(seed: int = 0) -> dict:
    key = jax.random.key(seed)
    k1, k2, k3 = jax.random.split(key, 3)
    input_ids = jax.random.randint(k1, (BATCH, SEQ), 0, VOCAB, dtype=jnp.int64 if jax.config.jax_enable_x64 else jnp.int32)
    word_table = jax.random.normal(k2, (VOCAB, HIDDEN), dtype=jnp.float32) * 0.02
    pos_table = jax.random.normal(k3, (MAX_POS, HIDDEN), dtype=jnp.float32) * 0.02
    ln_gamma = jnp.ones((HIDDEN,), dtype=jnp.float32)
    ln_beta = jnp.zeros((HIDDEN,), dtype=jnp.float32)
    return {"input_ids": input_ids, "word_table": word_table, "pos_table": pos_table, "ln_gamma": ln_gamma, "ln_beta": ln_beta}

def _layernorm(x, gamma, beta, eps):
    mean = jnp.mean(x, axis=-1, keepdims=True)
    var = jnp.mean(jnp.square(x - mean), axis=-1, keepdims=True)
    xhat = (x - mean) / jnp.sqrt(var + eps)
    return xhat * gamma + beta

def reference(input_ids, word_table, pos_table, ln_gamma, ln_beta):
    seq_len = input_ids.shape[1]
    # TokenEmbedding: gather from word table (SparseCore embedding lookup)
    inputs_embeds = jnp.take(word_table, input_ids, axis=0)
    # PositionalEmbedding: position_ids = arange(seq_len), broadcast over batch
    position_ids = jnp.arange(seq_len)
    position_embeddings = jnp.take(pos_table, position_ids, axis=0)  # [S, H]
    embeddings = inputs_embeds + position_embeddings[None, :, :]
    # Dropout is identity in eval mode
    embeddings = _layernorm(embeddings, ln_gamma, ln_beta, EPS)
    return embeddings

if __name__ == "__main__":
    import jax
    _d = setup_inputs()
    print(jax.jit(kernel)(*tuple(_d.values())))

</pallas_src>

<mosaic_0001>
#map = affine_map<(d0, d1) -> (0, 0)>
#map1 = affine_map<(d0, d1) -> (0)>
module attributes {stable_mosaic.version = 14 : i64} {
  func.func @gather_kernel(%arg0: i32, %arg1: i32, %arg2: memref<100000x768xf32, #tpu.memory_space<hbm>>, %arg3: memref<4096xi32, #tpu.memory_space<hbm>>, %arg4: memref<4096x768xf32, #tpu.memory_space<hbm>>, %arg5: memref<128xi32, #tpu.memory_space<vmem>>, %arg6: memref<64x768xf32, #tpu.memory_space<vmem>>, %arg7: memref<64x768xf32, #tpu.memory_space<vmem>>, %arg8: memref<!tpu.dma_semaphore, #tpu.memory_space<semaphore_mem>>, %arg9: memref<!tpu.dma_semaphore, #tpu.memory_space<semaphore_mem>>) attributes {dimension_semantics = [#tpu.dimension_semantics<core_parallel>, #tpu.dimension_semantics<subcore_parallel>], iteration_bounds = array<i64: 2, 16>, scalar_prefetch = 0 : i64, scratch_operands = 5 : i64, tpu.core_type = #tpu.core_type<sc_vector_subcore>, window_params = [{transform_indices = #map}, {transform_indices = #map1}, {transform_indices = #map}]} {
    %mul3A = arith.constant 2 : i32
    %mul3A_0 = arith.muli %arg1, %mul3A : i32
    %add3A = arith.addi %mul3A_0, %arg0 : i32
    %mul3A_1 = arith.constant 128 : i32
    %mul3A_2 = arith.muli %add3A, %mul3A_1 : i32
    "tpu.region"() ({
      %run_scoped3A = tpu.sem_alloc : memref<!tpu.dma_semaphore, #tpu.memory_space<semaphore_mem>>
      %dma_start3A_25 = tpu.memref_slice %arg3[%mul3A_2] : memref<4096xi32, #tpu.memory_space<hbm>> -> memref<128xi32, #tpu.memory_space<hbm>>
      %dma_start3A_26 = tpu.memref_slice %arg3[%mul3A_2] : memref<4096xi32, #tpu.memory_space<hbm>> -> memref<128xi32, #tpu.memory_space<hbm>>
      tpu.enqueue_dma source(%dma_start3A_26 : memref<128xi32, #tpu.memory_space<hbm>>) target(%arg5 : memref<128xi32, #tpu.memory_space<vmem>>) target_semaphore(%run_scoped3A : memref<!tpu.dma_semaphore, #tpu.memory_space<semaphore_mem>>)
      %dma_wait3A_27 = tpu.memref_slice %arg3[%mul3A_2] : memref<4096xi32, #tpu.memory_space<hbm>> -> memref<128xi32, #tpu.memory_space<hbm>>
      %dma_wait3A_28 = tpu.memref_slice %arg3[%mul3A_2] : memref<4096xi32, #tpu.memory_space<hbm>> -> memref<128xi32, #tpu.memory_space<hbm>>
      tpu.wait_dma2 semaphore(%run_scoped3A : memref<!tpu.dma_semaphore, #tpu.memory_space<semaphore_mem>>) src(%dma_wait3A_28 : memref<128xi32, #tpu.memory_space<hbm>>) dst(%arg5 : memref<128xi32, #tpu.memory_space<vmem>>)
      tpu.yield
    }) : () -> ()
    %dma_start3A = arith.constant 0 : i32
    %dma_start3A_3 = tpu.memref_slice %arg5[%dma_start3A] : memref<128xi32, #tpu.memory_space<vmem>> -> memref<64xi32, #tpu.memory_space<vmem>>
    %dma_start3A_4 = arith.constant 0 : i32
    %dma_start3A_5 = arith.constant 0 : i32
    %dma_start3A_6 = tpu.memref_slice %arg2[%dma_start3A_4, %dma_start3A_5] : memref<100000x768xf32, #tpu.memory_space<hbm>> -> memref<100000x768xf32, #tpu.memory_space<hbm>>
    tpu.enqueue_indirect_dma source(%dma_start3A_6 : memref<100000x768xf32, #tpu.memory_space<hbm>>) target(%arg6 : memref<64x768xf32, #tpu.memory_space<vmem>>) offsets(%dma_start3A_3 : memref<64xi32, #tpu.memory_space<vmem>>) semaphore(%arg8 : memref<!tpu.dma_semaphore, #tpu.memory_space<semaphore_mem>>)
    %dma_start3A_7 = arith.constant 64 : i32
    %dma_start3A_8 = tpu.memref_slice %arg5[%dma_start3A_7] : memref<128xi32, #tpu.memory_space<vmem>> -> memref<64xi32, #tpu.memory_space<vmem>>
    %dma_start3A_9 = arith.constant 0 : i32
    %dma_start3A_10 = arith.constant 0 : i32
    %dma_start3A_11 = tpu.memref_slice %arg2[%dma_start3A_9, %dma_start3A_10] : memref<100000x768xf32, #tpu.memory_space<hbm>> -> memref<100000x768xf32, #tpu.memory_space<hbm>>
    tpu.enqueue_indirect_dma source(%dma_start3A_11 : memref<100000x768xf32, #tpu.memory_space<hbm>>) target(%arg7 : memref<64x768xf32, #tpu.memory_space<vmem>>) offsets(%dma_start3A_8 : memref<64xi32, #tpu.memory_space<vmem>>) semaphore(%arg9 : memref<!tpu.dma_semaphore, #tpu.memory_space<semaphore_mem>>)
    %dma_wait3A = arith.constant 0 : i32
    %dma_wait3A_12 = tpu.memref_slice %arg5[%dma_wait3A] : memref<128xi32, #tpu.memory_space<vmem>> -> memref<64xi32, #tpu.memory_space<vmem>>
    %dma_wait3A_13 = arith.constant 0 : i32
    %dma_wait3A_14 = arith.constant 0 : i32
    %dma_wait3A_15 = tpu.memref_slice %arg2[%dma_wait3A_13, %dma_wait3A_14] : memref<100000x768xf32, #tpu.memory_space<hbm>> -> memref<100000x768xf32, #tpu.memory_space<hbm>>
    tpu.wait_indirect_dma semaphore(%arg8 : memref<!tpu.dma_semaphore, #tpu.memory_space<semaphore_mem>>) src(%dma_wait3A_15 : memref<100000x768xf32, #tpu.memory_space<hbm>>) dst(%arg6 : memref<64x768xf32, #tpu.memory_space<vmem>>)
    %add3A_16 = arith.constant 0 : i32
    %add3A_17 = arith.addi %mul3A_2, %add3A_16 : i32
    "tpu.region"() ({
      %run_scoped3A = tpu.sem_alloc : memref<!tpu.dma_semaphore, #tpu.memory_space<semaphore_mem>>
      %dma_start3A_25 = arith.constant 0 : i32
      %dma_start3A_26 = tpu.memref_slice %arg4[%add3A_17, %dma_start3A_25] : memref<4096x768xf32, #tpu.memory_space<hbm>> -> memref<64x768xf32, #tpu.memory_space<hbm>>
      %dma_start3A_27 = arith.constant 0 : i32
      %dma_start3A_28 = tpu.memref_slice %arg4[%add3A_17, %dma_start3A_27] : memref<4096x768xf32, #tpu.memory_space<hbm>> -> memref<64x768xf32, #tpu.memory_space<hbm>>
      tpu.enqueue_dma source(%arg6 : memref<64x768xf32, #tpu.memory_space<vmem>>) target(%dma_start3A_28 : memref<64x768xf32, #tpu.memory_space<hbm>>) target_semaphore(%run_scoped3A : memref<!tpu.dma_semaphore, #tpu.memory_space<semaphore_mem>>)
      %dma_wait3A_29 = arith.constant 0 : i32
      %dma_wait3A_30 = tpu.memref_slice %arg4[%add3A_17, %dma_wait3A_29] : memref<4096x768xf32, #tpu.memory_space<hbm>> -> memref<64x768xf32, #tpu.memory_space<hbm>>
      %dma_wait3A_31 = arith.constant 0 : i32
      %dma_wait3A_32 = tpu.memref_slice %arg4[%add3A_17, %dma_wait3A_31] : memref<4096x768xf32, #tpu.memory_space<hbm>> -> memref<64x768xf32, #tpu.memory_space<hbm>>
      tpu.wait_dma2 semaphore(%run_scoped3A : memref<!tpu.dma_semaphore, #tpu.memory_space<semaphore_mem>>) src(%arg6 : memref<64x768xf32, #tpu.memory_space<vmem>>) dst(%dma_wait3A_32 : memref<64x768xf32, #tpu.memory_space<hbm>>)
      tpu.yield
    }) : () -> ()
    %dma_wait3A_18 = arith.constant 64 : i32
    %dma_wait3A_19 = tpu.memref_slice %arg5[%dma_wait3A_18] : memref<128xi32, #tpu.memory_space<vmem>> -> memref<64xi32, #tpu.memory_space<vmem>>
    %dma_wait3A_20 = arith.constant 0 : i32
    %dma_wait3A_21 = arith.constant 0 : i32
    %dma_wait3A_22 = tpu.memref_slice %arg2[%dma_wait3A_20, %dma_wait3A_21] : memref<100000x768xf32, #tpu.memory_space<hbm>> -> memref<100000x768xf32, #tpu.memory_space<hbm>>
    tpu.wait_indirect_dma semaphore(%arg9 : memref<!tpu.dma_semaphore, #tpu.memory_space<semaphore_mem>>) src(%dma_wait3A_22 : memref<100000x768xf32, #tpu.memory_space<hbm>>) dst(%arg7 : memref<64x768xf32, #tpu.memory_space<vmem>>)
    %add3A_23 = arith.constant 64 : i32
    %add3A_24 = arith.addi %mul3A_2, %add3A_23 : i32
    "tpu.region"() ({
      %run_scoped3A = tpu.sem_alloc : memref<!tpu.dma_semaphore, #tpu.memory_space<semaphore_mem>>
      %dma_start3A_25 = arith.constant 0 : i32
      %dma_start3A_26 = tpu.memref_slice %arg4[%add3A_24, %dma_start3A_25] : memref<4096x768xf32, #tpu.memory_space<hbm>> -> memref<64x768xf32, #tpu.memory_space<hbm>>
      %dma_start3A_27 = arith.constant 0 : i32
      %dma_start3A_28 = tpu.memref_slice %arg4[%add3A_24, %dma_start3A_27] : memref<4096x768xf32, #tpu.memory_space<hbm>> -> memref<64x768xf32, #tpu.memory_space<hbm>>
      tpu.enqueue_dma source(%arg7 : memref<64x768xf32, #tpu.memory_space<vmem>>) target(%dma_start3A_28 : memref<64x768xf32, #tpu.memory_space<hbm>>) target_semaphore(%run_scoped3A : memref<!tpu.dma_semaphore, #tpu.memory_space<semaphore_mem>>)
      %dma_wait3A_29 = arith.constant 0 : i32
      %dma_wait3A_30 = tpu.memref_slice %arg4[%add3A_24, %dma_wait3A_29] : memref<4096x768xf32, #tpu.memory_space<hbm>> -> memref<64x768xf32, #tpu.memory_space<hbm>>
      %dma_wait3A_31 = arith.constant 0 : i32
      %dma_wait3A_32 = tpu.memref_slice %arg4[%add3A_24, %dma_wait3A_31] : memref<4096x768xf32, #tpu.memory_space<hbm>> -> memref<64x768xf32, #tpu.memory_space<hbm>>
      tpu.wait_dma2 semaphore(%run_scoped3A : memref<!tpu.dma_semaphore, #tpu.memory_space<semaphore_mem>>) src(%arg7 : memref<64x768xf32, #tpu.memory_space<vmem>>) dst(%dma_wait3A_32 : memref<64x768xf32, #tpu.memory_space<hbm>>)
      tpu.yield
    }) : () -> ()
    return
  }
}

#map = affine_map<(d0, d1) -> (0, 0)>
#map1 = affine_map<(d0, d1) -> (0)>
module attributes {stable_mosaic.version = 14 : i64} {
  func.func @gather_kernel(%arg0: i32, %arg1: i32, %arg2: memref<100000x768xf32, #tpu.memory_space<hbm>>, %arg3: memref<4096xi32, #tpu.memory_space<hbm>>, %arg4: memref<4096x768xf32, #tpu.memory_space<hbm>>, %arg5: memref<128xi32, #tpu.memory_space<vmem>>, %arg6: memref<64x768xf32, #tpu.memory_space<vmem>>, %arg7: memref<64x768xf32, #tpu.memory_space<vmem>>, %arg8: memref<!tpu.dma_semaphore, #tpu.memory_space<semaphore_mem>>, %arg9: memref<!tpu.dma_semaphore, #tpu.memory_space<semaphore_mem>>) attributes {dimension_semantics = [#tpu.dimension_semantics<core_parallel>, #tpu.dimension_semantics<subcore_parallel>], iteration_bounds = array<i64: 2, 16>, scalar_prefetch = 0 : i64, scratch_operands = 5 : i64, tpu.core_type = #tpu.core_type<sc_vector_subcore>, window_params = [{transform_indices = #map}, {transform_indices = #map1}, {transform_indices = #map}]} {
    %mul3A = arith.constant 2 : i32
    %mul3A_0 = arith.muli %arg1, %mul3A : i32
    %add3A = arith.addi %mul3A_0, %arg0 : i32
    %mul3A_1 = arith.constant 128 : i32
    %mul3A_2 = arith.muli %add3A, %mul3A_1 : i32
    "tpu.region"() ({
      %run_scoped3A = tpu.sem_alloc : memref<!tpu.dma_semaphore, #tpu.memory_space<semaphore_mem>>
      %dma_start3A_25 = tpu.memref_slice %arg3[%mul3A_2] : memref<4096xi32, #tpu.memory_space<hbm>> -> memref<128xi32, #tpu.memory_space<hbm>>
      %dma_start3A_26 = tpu.memref_slice %arg3[%mul3A_2] : memref<4096xi32, #tpu.memory_space<hbm>> -> memref<128xi32, #tpu.memory_space<hbm>>
      tpu.enqueue_dma source(%dma_start3A_26 : memref<128xi32, #tpu.memory_space<hbm>>) target(%arg5 : memref<128xi32, #tpu.memory_space<vmem>>) target_semaphore(%run_scoped3A : memref<!tpu.dma_semaphore, #tpu.memory_space<semaphore_mem>>)
      %dma_wait3A_27 = tpu.memref_slice %arg3[%mul3A_2] : memref<4096xi32, #tpu.memory_space<hbm>> -> memref<128xi32, #tpu.memory_space<hbm>>
      %dma_wait3A_28 = tpu.memref_slice %arg3[%mul3A_2] : memref<4096xi32, #tpu.memory_space<hbm>> -> memref<128xi32, #tpu.memory_space<hbm>>
      tpu.wait_dma2 semaphore(%run_scoped3A : memref<!tpu.dma_semaphore, #tpu.memory_space<semaphore_mem>>) src(%dma_wait3A_28 : memref<128xi32, #tpu.memory_space<hbm>>) dst(%arg5 : memref<128xi32, #tpu.memory_space<vmem>>)
      tpu.yield
    }) : () -> ()
    %dma_start3A = arith.constant 0 : i32
    %dma_start3A_3 = tpu.memref_slice %arg5[%dma_start3A] : memref<128xi32, #tpu.memory_space<vmem>> -> memref<64xi32, #tpu.memory_space<vmem>>
    %dma_start3A_4 = arith.constant 0 : i32
    %dma_start3A_5 = arith.constant 0 : i32
    %dma_start3A_6 = tpu.memref_slice %arg2[%dma_start3A_4, %dma_start3A_5] : memref<100000x768xf32, #tpu.memory_space<hbm>> -> memref<100000x768xf32, #tpu.memory_space<hbm>>
    tpu.enqueue_indirect_dma source(%dma_start3A_6 : memref<100000x768xf32, #tpu.memory_space<hbm>>) target(%arg6 : memref<64x768xf32, #tpu.memory_space<vmem>>) offsets(%dma_start3A_3 : memref<64xi32, #tpu.memory_space<vmem>>) semaphore(%arg8 : memref<!tpu.dma_semaphore, #tpu.memory_space<semaphore_mem>>)
    %dma_start3A_7 = arith.constant 64 : i32
    %dma_start3A_8 = tpu.memref_slice %arg5[%dma_start3A_7] : memref<128xi32, #tpu.memory_space<vmem>> -> memref<64xi32, #tpu.memory_space<vmem>>
    %dma_start3A_9 = arith.constant 0 : i32
    %dma_start3A_10 = arith.constant 0 : i32
    %dma_start3A_11 = tpu.memref_slice %arg2[%dma_start3A_9, %dma_start3A_10] : memref<100000x768xf32, #tpu.memory_space<hbm>> -> memref<100000x768xf32, #tpu.memory_space<hbm>>
    tpu.enqueue_indirect_dma source(%dma_start3A_11 : memref<100000x768xf32, #tpu.memory_space<hbm>>) target(%arg7 : memref<64x768xf32, #tpu.memory_space<vmem>>) offsets(%dma_start3A_8 : memref<64xi32, #tpu.memory_space<vmem>>) semaphore(%arg9 : memref<!tpu.dma_semaphore, #tpu.memory_space<semaphore_mem>>)
    %dma_wait3A = arith.constant 0 : i32
    %dma_wait3A_12 = tpu.memref_slice %arg5[%dma_wait3A] : memref<128xi32, #tpu.memory_space<vmem>> -> memref<64xi32, #tpu.memory_space<vmem>>
    %dma_wait3A_13 = arith.constant 0 : i32
    %dma_wait3A_14 = arith.constant 0 : i32
    %dma_wait3A_15 = tpu.memref_slice %arg2[%dma_wait3A_13, %dma_wait3A_14] : memref<100000x768xf32, #tpu.memory_space<hbm>> -> memref<100000x768xf32, #tpu.memory_space<hbm>>
    tpu.wait_indirect_dma semaphore(%arg8 : memref<!tpu.dma_semaphore, #tpu.memory_space<semaphore_mem>>) src(%dma_wait3A_15 : memref<100000x768xf32, #tpu.memory_space<hbm>>) dst(%arg6 : memref<64x768xf32, #tpu.memory_space<vmem>>)
    %add3A_16 = arith.constant 0 : i32
    %add3A_17 = arith.addi %mul3A_2, %add3A_16 : i32
    "tpu.region"() ({
      %run_scoped3A = tpu.sem_alloc : memref<!tpu.dma_semaphore, #tpu.memory_space<semaphore_mem>>
      %dma_start3A_25 = arith.constant 0 : i32
      %dma_start3A_26 = tpu.memref_slice %arg4[%add3A_17, %dma_start3A_25] : memref<4096x768xf32, #tpu.memory_space<hbm>> -> memref<64x768xf32, #tpu.memory_space<hbm>>
      %dma_start3A_27 = arith.constant 0 : i32
      %dma_start3A_28 = tpu.memref_slice %arg4[%add3A_17, %dma_start3A_27] : memref<4096x768xf32, #tpu.memory_space<hbm>> -> memref<64x768xf32, #tpu.memory_space<hbm>>
      tpu.enqueue_dma source(%arg6 : memref<64x768xf32, #tpu.memory_space<vmem>>) target(%dma_start3A_28 : memref<64x768xf32, #tpu.memory_space<hbm>>) target_semaphore(%run_scoped3A : memref<!tpu.dma_semaphore, #tpu.memory_space<semaphore_mem>>)
      %dma_wait3A_29 = arith.constant 0 : i32
      %dma_wait3A_30 = tpu.memref_slice %arg4[%add3A_17, %dma_wait3A_29] : memref<4096x768xf32, #tpu.memory_space<hbm>> -> memref<64x768xf32, #tpu.memory_space<hbm>>
      %dma_wait3A_31 = arith.constant 0 : i32
      %dma_wait3A_32 = tpu.memref_slice %arg4[%add3A_17, %dma_wait3A_31] : memref<4096x768xf32, #tpu.memory_space<hbm>> -> memref<64x768xf32, #tpu.memory_space<hbm>>
      tpu.wait_dma2 semaphore(%run_scoped3A : memref<!tpu.dma_semaphore, #tpu.memory_space<semaphore_mem>>) src(%arg6 : memref<64x768xf32, #tpu.memory_space<vmem>>) dst(%dma_wait3A_32 : memref<64x768xf32, #tpu.memory_space<hbm>>)
      tpu.yield
    }) : () -> ()
    %dma_wait3A_18 = arith.constant 64 : i32
    %dma_wait3A_19 = tpu.memref_slice %arg5[%dma_wait3A_18] : memref<128xi32, #tpu.memory_space<vmem>> -> memref<64xi32, #tpu.memory_space<vmem>>
    %dma_wait3A_20 = arith.constant 0 : i32
    %dma_wait3A_21 = arith.constant 0 : i32
    %dma_wait3A_22 = tpu.memref_slice %arg2[%dma_wait3A_20, %dma_wait3A_21] : memref<100000x768xf32, #tpu.memory_space<hbm>> -> memref<100000x768xf32, #tpu.memory_space<hbm>>
    tpu.wait_indirect_dma semaphore(%arg9 : memref<!tpu.dma_semaphore, #tpu.memory_space<semaphore_mem>>) src(%dma_wait3A_22 : memref<100000x768xf32, #tpu.memory_space<hbm>>) dst(%arg7 : memref<64x768xf32, #tpu.memory_space<vmem>>)
    %add3A_23 = arith.constant 64 : i32
    %add3A_24 = arith.addi %mul3A_2, %add3A_23 : i32
    "tpu.region"() ({
      %run_scoped3A = tpu.sem_alloc : memref<!tpu.dma_semaphore, #tpu.memory_space<semaphore_mem>>
      %dma_start3A_25 = arith.constant 0 : i32
      %dma_start3A_26 = tpu.memref_slice %arg4[%add3A_24, %dma_start3A_25] : memref<4096x768xf32, #tpu.memory_space<hbm>> -> memref<64x768xf32, #tpu.memory_space<hbm>>
      %dma_start3A_27 = arith.constant 0 : i32
      %dma_start3A_28 = tpu.memref_slice %arg4[%add3A_24, %dma_start3A_27] : memref<4096x768xf32, #tpu.memory_space<hbm>> -> memref<64x768xf32, #tpu.memory_space<hbm>>
      tpu.enqueue_dma source(%arg7 : memref<64x768xf32, #tpu.memory_space<vmem>>) target(%dma_start3A_28 : memref<64x768xf32, #tpu.memory_space<hbm>>) target_semaphore(%run_scoped3A : memref<!tpu.dma_semaphore, #tpu.memory_space<semaphore_mem>>)
      %dma_wait3A_29 = arith.constant 0 : i32
      %dma_wait3A_30 = tpu.memref_slice %arg4[%add3A_24, %dma_wait3A_29] : memref<4096x768xf32, #tpu.memory_space<hbm>> -> memref<64x768xf32, #tpu.memory_space<hbm>>
      %dma_wait3A_31 = arith.constant 0 : i32
      %dma_wait3A_32 = tpu.memref_slice %arg4[%add3A_24, %dma_wait3A_31] : memref<4096x768xf32, #tpu.memory_space<hbm>> -> memref<64x768xf32, #tpu.memory_space<hbm>>
      tpu.wait_dma2 semaphore(%run_scoped3A : memref<!tpu.dma_semaphore, #tpu.memory_space<semaphore_mem>>) src(%arg7 : memref<64x768xf32, #tpu.memory_space<vmem>>) dst(%dma_wait3A_32 : memref<64x768xf32, #tpu.memory_space<hbm>>)
      tpu.yield
    }) : () -> ()
    return
  }
}

#map = affine_map<(d0, d1) -> (0, 0)>
#map1 = affine_map<(d0, d1) -> (0)>
module attributes {stable_mosaic.version = 14 : i64} {
  func.func @gather_kernel(%arg0: i32, %arg1: i32, %arg2: memref<100000x768xf32, #tpu.memory_space<hbm>>, %arg3: memref<4096xi32, #tpu.memory_space<hbm>>, %arg4: memref<4096x768xf32, #tpu.memory_space<hbm>>, %arg5: memref<128xi32, #tpu.memory_space<vmem>>, %arg6: memref<64x768xf32, #tpu.memory_space<vmem>>, %arg7: memref<64x768xf32, #tpu.memory_space<vmem>>, %arg8: memref<!tpu.dma_semaphore, #tpu.memory_space<semaphore_mem>>, %arg9: memref<!tpu.dma_semaphore, #tpu.memory_space<semaphore_mem>>) attributes {dimension_semantics = [#tpu.dimension_semantics<core_parallel>, #tpu.dimension_semantics<subcore_parallel>], iteration_bounds = array<i64: 2, 16>, scalar_prefetch = 0 : i64, scratch_operands = 5 : i64, tpu.core_type = #tpu.core_type<sc_vector_subcore>, window_params = [{transform_indices = #map}, {transform_indices = #map1}, {transform_indices = #map}]} {
    %mul3A = arith.constant 2 : i32
    %mul3A_0 = arith.muli %arg1, %mul3A : i32
    %add3A = arith.addi %mul3A_0, %arg0 : i32
    %mul3A_1 = arith.constant 128 : i32
    %mul3A_2 = arith.muli %add3A, %mul3A_1 : i32
    "tpu.region"() ({
      %run_scoped3A = tpu.sem_alloc : memref<!tpu.dma_semaphore, #tpu.memory_space<semaphore_mem>>
      %dma_start3A_25 = tpu.memref_slice %arg3[%mul3A_2] : memref<4096xi32, #tpu.memory_space<hbm>> -> memref<128xi32, #tpu.memory_space<hbm>>
      %dma_start3A_26 = tpu.memref_slice %arg3[%mul3A_2] : memref<4096xi32, #tpu.memory_space<hbm>> -> memref<128xi32, #tpu.memory_space<hbm>>
      tpu.enqueue_dma source(%dma_start3A_26 : memref<128xi32, #tpu.memory_space<hbm>>) target(%arg5 : memref<128xi32, #tpu.memory_space<vmem>>) target_semaphore(%run_scoped3A : memref<!tpu.dma_semaphore, #tpu.memory_space<semaphore_mem>>)
      %dma_wait3A_27 = tpu.memref_slice %arg3[%mul3A_2] : memref<4096xi32, #tpu.memory_space<hbm>> -> memref<128xi32, #tpu.memory_space<hbm>>
      %dma_wait3A_28 = tpu.memref_slice %arg3[%mul3A_2] : memref<4096xi32, #tpu.memory_space<hbm>> -> memref<128xi32, #tpu.memory_space<hbm>>
      tpu.wait_dma2 semaphore(%run_scoped3A : memref<!tpu.dma_semaphore, #tpu.memory_space<semaphore_mem>>) src(%dma_wait3A_28 : memref<128xi32, #tpu.memory_space<hbm>>) dst(%arg5 : memref<128xi32, #tpu.memory_space<vmem>>)
      tpu.yield
    }) : () -> ()
    %dma_start3A = arith.constant 0 : i32
    %dma_start3A_3 = tpu.memref_slice %arg5[%dma_start3A] : memref<128xi32, #tpu.memory_space<vmem>> -> memref<64xi32, #tpu.memory_space<vmem>>
    %dma_start3A_4 = arith.constant 0 : i32
    %dma_start3A_5 = arith.constant 0 : i32
    %dma_start3A_6 = tpu.memref_slice %arg2[%dma_start3A_4, %dma_start3A_5] : memref<100000x768xf32, #tpu.memory_space<hbm>> -> memref<100000x768xf32, #tpu.memory_space<hbm>>
    tpu.enqueue_indirect_dma source(%dma_start3A_6 : memref<100000x768xf32, #tpu.memory_space<hbm>>) target(%arg6 : memref<64x768xf32, #tpu.memory_space<vmem>>) offsets(%dma_start3A_3 : memref<64xi32, #tpu.memory_space<vmem>>) semaphore(%arg8 : memref<!tpu.dma_semaphore, #tpu.memory_space<semaphore_mem>>)
    %dma_start3A_7 = arith.constant 64 : i32
    %dma_start3A_8 = tpu.memref_slice %arg5[%dma_start3A_7] : memref<128xi32, #tpu.memory_space<vmem>> -> memref<64xi32, #tpu.memory_space<vmem>>
    %dma_start3A_9 = arith.constant 0 : i32
    %dma_start3A_10 = arith.constant 0 : i32
    %dma_start3A_11 = tpu.memref_slice %arg2[%dma_start3A_9, %dma_start3A_10] : memref<100000x768xf32, #tpu.memory_space<hbm>> -> memref<100000x768xf32, #tpu.memory_space<hbm>>
    tpu.enqueue_indirect_dma source(%dma_start3A_11 : memref<100000x768xf32, #tpu.memory_space<hbm>>) target(%arg7 : memref<64x768xf32, #tpu.memory_space<vmem>>) offsets(%dma_start3A_8 : memref<64xi32, #tpu.memory_space<vmem>>) semaphore(%arg9 : memref<!tpu.dma_semaphore, #tpu.memory_space<semaphore_mem>>)
    %dma_wait3A = arith.constant 0 : i32
    %dma_wait3A_12 = tpu.memref_slice %arg5[%dma_wait3A] : memref<128xi32, #tpu.memory_space<vmem>> -> memref<64xi32, #tpu.memory_space<vmem>>
    %dma_wait3A_13 = arith.constant 0 : i32
    %dma_wait3A_14 = arith.constant 0 : i32
    %dma_wait3A_15 = tpu.memref_slice %arg2[%dma_wait3A_13, %dma_wait3A_14] : memref<100000x768xf32, #tpu.memory_space<hbm>> -> memref<100000x768xf32, #tpu.memory_space<hbm>>
    tpu.wait_indirect_dma semaphore(%arg8 : memref<!tpu.dma_semaphore, #tpu.memory_space<semaphore_mem>>) src(%dma_wait3A_15 : memref<100000x768xf32, #tpu.memory_space<hbm>>) dst(%arg6 : memref<64x768xf32, #tpu.memory_space<vmem>>)
    %add3A_16 = arith.constant 0 : i32
    %add3A_17 = arith.addi %mul3A_2, %add3A_16 : i32
    "tpu.region"() ({
      %run_scoped3A = tpu.sem_alloc : memref<!tpu.dma_semaphore, #tpu.memory_space<semaphore_mem>>
      %dma_start3A_25 = arith.constant 0 : i32
      %dma_start3A_26 = tpu.memref_slice %arg4[%add3A_17, %dma_start3A_25] : memref<4096x768xf32, #tpu.memory_space<hbm>> -> memref<64x768xf32, #tpu.memory_space<hbm>>
      %dma_start3A_27 = arith.constant 0 : i32
      %dma_start3A_28 = tpu.memref_slice %arg4[%add3A_17, %dma_start3A_27] : memref<4096x768xf32, #tpu.memory_space<hbm>> -> memref<64x768xf32, #tpu.memory_space<hbm>>
      tpu.enqueue_dma source(%arg6 : memref<64x768xf32, #tpu.memory_space<vmem>>) target(%dma_start3A_28 : memref<64x768xf32, #tpu.memory_space<hbm>>) target_semaphore(%run_scoped3A : memref<!tpu.dma_semaphore, #tpu.memory_space<semaphore_mem>>)
      %dma_wait3A_29 = arith.constant 0 : i32
      %dma_wait3A_30 = tpu.memref_slice %arg4[%add3A_17, %dma_wait3A_29] : memref<4096x768xf32, #tpu.memory_space<hbm>> -> memref<64x768xf32, #tpu.memory_space<hbm>>
      %dma_wait3A_31 = arith.constant 0 : i32
      %dma_wait3A_32 = tpu.memref_slice %arg4[%add3A_17, %dma_wait3A_31] : memref<4096x768xf32, #tpu.memory_space<hbm>> -> memref<64x768xf32, #tpu.memory_space<hbm>>
      tpu.wait_dma2 semaphore(%run_scoped3A : memref<!tpu.dma_semaphore, #tpu.memory_space<semaphore_mem>>) src(%arg6 : memref<64x768xf32, #tpu.memory_space<vmem>>) dst(%dma_wait3A_32 : memref<64x768xf32, #tpu.memory_space<hbm>>)
      tpu.yield
    }) : () -> ()
    %dma_wait3A_18 = arith.constant 64 : i32
    %dma_wait3A_19 = tpu.memref_slice %arg5[%dma_wait3A_18] : memref<128xi32, #tpu.memory_space<vmem>> -> memref<64xi32, #tpu.memory_space<vmem>>
    %dma_wait3A_20 = arith.constant 0 : i32
    %dma_wait3A_21 = arith.constant 0 : i32
    %dma_wait3A_22 = tpu.memref_slice %arg2[%dma_wait3A_20, %dma_wait3A_21] : memref<100000x768xf32, #tpu.memory_space<hbm>> -> memref<100000x768xf32, #tpu.memory_space<hbm>>
    tpu.wait_indirect_dma semaphore(%arg9 : memref<!tpu.dma_semaphore, #tpu.memory_space<semaphore_mem>>) src(%dma_wait3A_22 : memref<100000x768xf32, #tpu.memory_space<hbm>>) dst(%arg7 : memref<64x768xf32, #tpu.memory_space<vmem>>)
    %add3A_23 = arith.constant 64 : i32
    %add3A_24 = arith.addi %mul3A_2, %add3A_23 : i32
    "tpu.region"() ({
      %run_scoped3A = tpu.sem_alloc : memref<!tpu.dma_semaphore, #tpu.memory_space<semaphore_mem>>
      %dma_start3A_25 = arith.constant 0 : i32
      %dma_start3A_26 = tpu.memref_slice %arg4[%add3A_24, %dma_start3A_25] : memref<4096x768xf32, #tpu.memory_space<hbm>> -> memref<64x768xf32, #tpu.memory_space<hbm>>
      %dma_start3A_27 = arith.constant 0 : i32
      %dma_start3A_28 = tpu.memref_slice %arg4[%add3A_24, %dma_start3A_27] : memref<4096x768xf32, #tpu.memory_space<hbm>> -> memref<64x768xf32, #tpu.memory_space<hbm>>
      tpu.enqueue_dma source(%arg7 : memref<64x768xf32, #tpu.memory_space<vmem>>) target(%dma_start3A_28 : memref<64x768xf32, #tpu.memory_space<hbm>>) target_semaphore(%run_scoped3A : memref<!tpu.dma_semaphore, #tpu.memory_space<semaphore_mem>>)
      %dma_wait3A_29 = arith.constant 0 : i32
      %dma_wait3A_30 = tpu.memref_slice %arg4[%add3A_24, %dma_wait3A_29] : memref<4096x768xf32, #tpu.memory_space<hbm>> -> memref<64x768xf32, #tpu.memory_space<hbm>>
      %dma_wait3A_31 = arith.constant 0 : i32
      %dma_wait3A_32 = tpu.memref_slice %arg4[%add3A_24, %dma_wait3A_31] : memref<4096x768xf32, #tpu.memory_space<hbm>> -> memref<64x768xf32, #tpu.memory_space<hbm>>
      tpu.wait_dma2 semaphore(%run_scoped3A : memref<!tpu.dma_semaphore, #tpu.memory_space<semaphore_mem>>) src(%arg7 : memref<64x768xf32, #tpu.memory_space<vmem>>) dst(%dma_wait3A_32 : memref<64x768xf32, #tpu.memory_space<hbm>>)
      tpu.yield
    }) : () -> ()
    return
  }
}

#map = affine_map<(d0, d1) -> (0, 0)>
#map1 = affine_map<(d0, d1) -> (0)>
module attributes {stable_mosaic.version = 14 : i64} {
  func.func @gather_kernel(%arg0: i32, %arg1: i32, %arg2: memref<100000x768xf32, #tpu.memory_space<hbm>>, %arg3: memref<4096xi32, #tpu.memory_space<hbm>>, %arg4: memref<4096x768xf32, #tpu.memory_space<hbm>>, %arg5: memref<128xi32, #tpu.memory_space<vmem>>, %arg6: memref<64x768xf32, #tpu.memory_space<vmem>>, %arg7: memref<64x768xf32, #tpu.memory_space<vmem>>, %arg8: memref<!tpu.dma_semaphore, #tpu.memory_space<semaphore_mem>>, %arg9: memref<!tpu.dma_semaphore, #tpu.memory_space<semaphore_mem>>) attributes {dimension_semantics = [#tpu.dimension_semantics<core_parallel>, #tpu.dimension_semantics<subcore_parallel>], iteration_bounds = array<i64: 2, 16>, scalar_prefetch = 0 : i64, scratch_operands = 5 : i64, tpu.core_type = #tpu.core_type<sc_vector_subcore>, window_params = [{transform_indices = #map}, {transform_indices = #map1}, {transform_indices = #map}]} {
    %mul3A = arith.constant 2 : i32
    %mul3A_0 = arith.muli %arg1, %mul3A : i32
    %add3A = arith.addi %mul3A_0, %arg0 : i32
    %mul3A_1 = arith.constant 128 : i32
    %mul3A_2 = arith.muli %add3A, %mul3A_1 : i32
    "tpu.region"() ({
      %run_scoped3A = tpu.sem_alloc : memref<!tpu.dma_semaphore, #tpu.memory_space<semaphore_mem>>
      %dma_start3A_25 = tpu.memref_slice %arg3[%mul3A_2] : memref<4096xi32, #tpu.memory_space<hbm>> -> memref<128xi32, #tpu.memory_space<hbm>>
      %dma_start3A_26 = tpu.memref_slice %arg3[%mul3A_2] : memref<4096xi32, #tpu.memory_space<hbm>> -> memref<128xi32, #tpu.memory_space<hbm>>
      tpu.enqueue_dma source(%dma_start3A_26 : memref<128xi32, #tpu.memory_space<hbm>>) target(%arg5 : memref<128xi32, #tpu.memory_space<vmem>>) target_semaphore(%run_scoped3A : memref<!tpu.dma_semaphore, #tpu.memory_space<semaphore_mem>>)
      %dma_wait3A_27 = tpu.memref_slice %arg3[%mul3A_2] : memref<4096xi32, #tpu.memory_space<hbm>> -> memref<128xi32, #tpu.memory_space<hbm>>
      %dma_wait3A_28 = tpu.memref_slice %arg3[%mul3A_2] : memref<4096xi32, #tpu.memory_space<hbm>> -> memref<128xi32, #tpu.memory_space<hbm>>
      tpu.wait_dma2 semaphore(%run_scoped3A : memref<!tpu.dma_semaphore, #tpu.memory_space<semaphore_mem>>) src(%dma_wait3A_28 : memref<128xi32, #tpu.memory_space<hbm>>) dst(%arg5 : memref<128xi32, #tpu.memory_space<vmem>>)
      tpu.yield
    }) : () -> ()
    %dma_start3A = arith.constant 0 : i32
    %dma_start3A_3 = tpu.memref_slice %arg5[%dma_start3A] : memref<128xi32, #tpu.memory_space<vmem>> -> memref<64xi32, #tpu.memory_space<vmem>>
    %dma_start3A_4 = arith.constant 0 : i32
    %dma_start3A_5 = arith.constant 0 : i32
    %dma_start3A_6 = tpu.memref_slice %arg2[%dma_start3A_4, %dma_start3A_5] : memref<100000x768xf32, #tpu.memory_space<hbm>> -> memref<100000x768xf32, #tpu.memory_space<hbm>>
    tpu.enqueue_indirect_dma source(%dma_start3A_6 : memref<100000x768xf32, #tpu.memory_space<hbm>>) target(%arg6 : memref<64x768xf32, #tpu.memory_space<vmem>>) offsets(%dma_start3A_3 : memref<64xi32, #tpu.memory_space<vmem>>) semaphore(%arg8 : memref<!tpu.dma_semaphore, #tpu.memory_space<semaphore_mem>>)
    %dma_start3A_7 = arith.constant 64 : i32
    %dma_start3A_8 = tpu.memref_slice %arg5[%dma_start3A_7] : memref<128xi32, #tpu.memory_space<vmem>> -> memref<64xi32, #tpu.memory_space<vmem>>
    %dma_start3A_9 = arith.constant 0 : i32
    %dma_start3A_10 = arith.constant 0 : i32
    %dma_start3A_11 = tpu.memref_slice %arg2[%dma_start3A_9, %dma_start3A_10] : memref<100000x768xf32, #tpu.memory_space<hbm>> -> memref<100000x768xf32, #tpu.memory_space<hbm>>
    tpu.enqueue_indirect_dma source(%dma_start3A_11 : memref<100000x768xf32, #tpu.memory_space<hbm>>) target(%arg7 : memref<64x768xf32, #tpu.memory_space<vmem>>) offsets(%dma_start3A_8 : memref<64xi32, #tpu.memory_space<vmem>>) semaphore(%arg9 : memref<!tpu.dma_semaphore, #tpu.memory_space<semaphore_mem>>)
    %dma_wait3A = arith.constant 0 : i32
    %dma_wait3A_12 = tpu.memref_slice %arg5[%dma_wait3A] : memref<128xi32, #tpu.memory_space<vmem>> -> memref<64xi32, #tpu.memory_space<vmem>>
    %dma_wait3A_13 = arith.constant 0 : i32
    %dma_wait3A_14 = arith.constant 0 : i32
    %dma_wait3A_15 = tpu.memref_slice %arg2[%dma_wait3A_13, %dma_wait3A_14] : memref<100000x768xf32, #tpu.memory_space<hbm>> -> memref<100000x768xf32, #tpu.memory_space<hbm>>
    tpu.wait_indirect_dma semaphore(%arg8 : memref<!tpu.dma_semaphore, #tpu.memory_space<semaphore_mem>>) src(%dma_wait3A_15 : memref<100000x768xf32, #tpu.memory_space<hbm>>) dst(%arg6 : memref<64x768xf32, #tpu.memory_space<vmem>>)
    %add3A_16 = arith.constant 0 : i32
    %add3A_17 = arith.addi %mul3A_2, %add3A_16 : i32
    "tpu.region"() ({
      %run_scoped3A = tpu.sem_alloc : memref<!tpu.dma_semaphore, #tpu.memory_space<semaphore_mem>>
      %dma_start3A_25 = arith.constant 0 : i32
      %dma_start3A_26 = tpu.memref_slice %arg4[%add3A_17, %dma_start3A_25] : memref<4096x768xf32, #tpu.memory_space<hbm>> -> memref<64x768xf32, #tpu.memory_space<hbm>>
      %dma_start3A_27 = arith.constant 0 : i32
      %dma_start3A_28 = tpu.memref_slice %arg4[%add3A_17, %dma_start3A_27] : memref<4096x768xf32, #tpu.memory_space<hbm>> -> memref<64x768xf32, #tpu.memory_space<hbm>>
      tpu.enqueue_dma source(%arg6 : memref<64x768xf32, #tpu.memory_space<vmem>>) target(%dma_start3A_28 : memref<64x768xf32, #tpu.memory_space<hbm>>) target_semaphore(%run_scoped3A : memref<!tpu.dma_semaphore, #tpu.memory_space<semaphore_mem>>)
      %dma_wait3A_29 = arith.constant 0 : i32
      %dma_wait3A_30 = tpu.memref_slice %arg4[%add3A_17, %dma_wait3A_29] : memref<4096x768xf32, #tpu.memory_space<hbm>> -> memref<64x768xf32, #tpu.memory_space<hbm>>
      %dma_wait3A_31 = arith.constant 0 : i32
      %dma_wait3A_32 = tpu.memref_slice %arg4[%add3A_17, %dma_wait3A_31] : memref<4096x768xf32, #tpu.memory_space<hbm>> -> memref<64x768xf32, #tpu.memory_space<hbm>>
      tpu.wait_dma2 semaphore(%run_scoped3A : memref<!tpu.dma_semaphore, #tpu.memory_space<semaphore_mem>>) src(%arg6 : memref<64x768xf32, #tpu.memory_space<vmem>>) dst(%dma_wait3A_32 : memref<64x768xf32, #tpu.memory_space<hbm>>)
      tpu.yield
    }) : () -> ()
    %dma_wait3A_18 = arith.constant 64 : i32
    %dma_wait3A_19 = tpu.memref_slice %arg5[%dma_wait3A_18] : memref<128xi32, #tpu.memory_space<vmem>> -> memref<64xi32, #tpu.memory_space<vmem>>
    %dma_wait3A_20 = arith.constant 0 : i32
    %dma_wait3A_21 = arith.constant 0 : i32
    %dma_wait3A_22 = tpu.memref_slice %arg2[%dma_wait3A_20, %dma_wait3A_21] : memref<100000x768xf32, #tpu.memory_space<hbm>> -> memref<100000x768xf32, #tpu.memory_space<hbm>>
    tpu.wait_indirect_dma semaphore(%arg9 : memref<!tpu.dma_semaphore, #tpu.memory_space<semaphore_mem>>) src(%dma_wait3A_22 : memref<100000x768xf32, #tpu.memory_space<hbm>>) dst(%arg7 : memref<64x768xf32, #tpu.memory_space<vmem>>)
    %add3A_23 = arith.constant 64 : i32
    %add3A_24 = arith.addi %mul3A_2, %add3A_23 : i32
    "tpu.region"() ({
      %run_scoped3A = tpu.sem_alloc : memref<!tpu.dma_semaphore, #tpu.memory_space<semaphore_mem>>
      %dma_start3A_25 = arith.constant 0 : i32
      %dma_start3A_26 = tpu.memref_slice %arg4[%add3A_24, %dma_start3A_25] : memref<4096x768xf32, #tpu.memory_space<hbm>> -> memref<64x768xf32, #tpu.memory_space<hbm>>
      %dma_start3A_27 = arith.constant 0 : i32
      %dma_start3A_28 = tpu.memref_slice %arg4[%add3A_24, %dma_start3A_27] : memref<4096x768xf32, #tpu.memory_space<hbm>> -> memref<64x768xf32, #tpu.memory_space<hbm>>
      tpu.enqueue_dma source(%arg7 : memref<64x768xf32, #tpu.memory_space<vmem>>) target(%dma_start3A_28 : memref<64x768xf32, #tpu.memory_space<hbm>>) target_semaphore(%run_scoped3A : memref<!tpu.dma_semaphore, #tpu.memory_space<semaphore_mem>>)
      %dma_wait3A_29 = arith.constant 0 : i32
      %dma_wait3A_30 = tpu.memref_slice %arg4[%add3A_24, %dma_wait3A_29] : memref<4096x768xf32, #tpu.memory_space<hbm>> -> memref<64x768xf32, #tpu.memory_space<hbm>>
      %dma_wait3A_31 = arith.constant 0 : i32
      %dma_wait3A_32 = tpu.memref_slice %arg4[%add3A_24, %dma_wait3A_31] : memref<4096x768xf32, #tpu.memory_space<hbm>> -> memref<64x768xf32, #tpu.memory_space<hbm>>
      tpu.wait_dma2 semaphore(%run_scoped3A : memref<!tpu.dma_semaphore, #tpu.memory_space<semaphore_mem>>) src(%arg7 : memref<64x768xf32, #tpu.memory_space<vmem>>) dst(%dma_wait3A_32 : memref<64x768xf32, #tpu.memory_space<hbm>>)
      tpu.yield
    }) : () -> ()
    return
  }
}

module attributes {stable_mosaic.version = 14 : i64} {
  func.func @_lambda_(%arg0: i32, %arg1: i32, %arg2: memref<1x1024x768xf32, #tpu.memory_space<vmem>>, %arg3: memref<1024x768xf32, #tpu.memory_space<vmem>>, %arg4: memref<1x768xf32, #tpu.memory_space<vmem>>, %arg5: memref<1x768xf32, #tpu.memory_space<vmem>>, %arg6: memref<4x4096x768xf32, #tpu.memory_space<any>>, %arg7: memref<1x1024x768xf32, #tpu.memory_space<vmem>>) attributes {dimension_semantics = [#tpu.dimension_semantics<arbitrary>, #tpu.dimension_semantics<arbitrary>], iteration_bounds = array<i64: 1, 4>, scalar_prefetch = 0 : i64, scratch_operands = 0 : i64, tpu.core_type = #tpu.core_type<tc>, window_params = [{transform_indices = @transform_0, window_bounds = array<i64: 1, 1024, 768>}, {transform_indices = @transform_1, window_bounds = array<i64: 1024, 768>}, {pipeline_mode = #tpu.pipeline_mode<synchronous>, transform_indices = @transform_2, window_bounds = array<i64: 1, 768>}, {pipeline_mode = #tpu.pipeline_mode<synchronous>, transform_indices = @transform_3, window_bounds = array<i64: 1, 768>}, {}, {transform_indices = @transform_5, window_bounds = array<i64: 1, 1024, 768>}]} {
    %get3A = arith.constant 0 : index
    %get3A_0 = arith.constant 0 : index
    %get3A_1 = arith.constant 0 : index
    %get3A_2 = vector.load %arg2[%get3A, %get3A_0, %get3A_1] : memref<1x1024x768xf32, #tpu.memory_space<vmem>>, vector<1x1024x768xf32>
    %get3A_3 = vector.shape_cast %get3A_2 : vector<1x1024x768xf32> to vector<1024x768xf32>
    %get3A_4 = arith.constant 0 : index
    %get3A_5 = arith.constant 0 : index
    %get3A_6 = vector.load %arg3[%get3A_4, %get3A_5] : memref<1024x768xf32, #tpu.memory_space<vmem>>, vector<1024x768xf32>
    %add3A = arith.addf %get3A_3, %get3A_6 : vector<1024x768xf32>
    %reduce_sum3A = arith.constant dense<0.000000e+00> : vector<1024xf32>
    %reduce_sum3A_7 = vector.multi_reduction <add>, %add3A, %reduce_sum3A [1] : vector<1024x768xf32> to vector<1024xf32>
    %broadcast_in_dim3A = vector.shape_cast %reduce_sum3A_7 : vector<1024xf32> to vector<1024x1xf32>
    %div3A = arith.constant 7.680000e+02 : f32
    %div3A_8 = vector.broadcast %div3A : f32 to vector<1024x1xf32>
    %div3A_9 = arith.divf %broadcast_in_dim3A, %div3A_8 : vector<1024x1xf32>
    %sub3A = vector.broadcast %div3A_9 : vector<1024x1xf32> to vector<1024x768xf32>
    %sub3A_10 = arith.subf %add3A, %sub3A : vector<1024x768xf32>
    %mul3A = arith.mulf %sub3A_10, %sub3A_10 : vector<1024x768xf32>
    %reduce_sum3A_11 = arith.constant dense<0.000000e+00> : vector<1024xf32>
    %reduce_sum3A_12 = vector.multi_reduction <add>, %mul3A, %reduce_sum3A_11 [1] : vector<1024x768xf32> to vector<1024xf32>
    %broadcast_in_dim3A_13 = vector.shape_cast %reduce_sum3A_12 : vector<1024xf32> to vector<1024x1xf32>
    %div3A_14 = arith.constant 7.680000e+02 : f32
    %div3A_15 = vector.broadcast %div3A_14 : f32 to vector<1024x1xf32>
    %div3A_16 = arith.divf %broadcast_in_dim3A_13, %div3A_15 : vector<1024x1xf32>
    %add3A_17 = arith.constant 9.99999996E-13 : f32
    %add3A_18 = vector.broadcast %add3A_17 : f32 to vector<1024x1xf32>
    %add3A_19 = arith.addf %div3A_16, %add3A_18 : vector<1024x1xf32>
    %rsqrt3A = math.rsqrt %add3A_19 : vector<1024x1xf32>
    %mul3A_20 = vector.broadcast %rsqrt3A : vector<1024x1xf32> to vector<1024x768xf32>
    %mul3A_21 = arith.mulf %sub3A_10, %mul3A_20 : vector<1024x768xf32>
    %get3A_22 = arith.constant 0 : index
    %get3A_23 = arith.constant 0 : index
    %get3A_24 = vector.load %arg4[%get3A_22, %get3A_23] : memref<1x768xf32, #tpu.memory_space<vmem>>, vector<1x768xf32>
    %mul3A_25 = vector.broadcast %get3A_24 : vector<1x768xf32> to vector<1024x768xf32>
    %mul3A_26 = arith.mulf %mul3A_21, %mul3A_25 : vector<1024x768xf32>
    %get3A_27 = arith.constant 0 : index
    %get3A_28 = arith.constant 0 : index
    %get3A_29 = vector.load %arg5[%get3A_27, %get3A_28] : memref<1x768xf32, #tpu.memory_space<vmem>>, vector<1x768xf32>
    %add3A_30 = vector.broadcast %get3A_29 : vector<1x768xf32> to vector<1024x768xf32>
    %add3A_31 = arith.addf %mul3A_26, %add3A_30 : vector<1024x768xf32>
    %swap3A = arith.constant 0 : index
    %swap3A_32 = arith.constant 0 : index
    %swap3A_33 = arith.constant 0 : index
    %swap3A_34 = vector.load %arg7[%swap3A, %swap3A_32, %swap3A_33] : memref<1x1024x768xf32, #tpu.memory_space<vmem>>, vector<1x1024x768xf32>
    %swap3A_35 = vector.shape_cast %swap3A_34 : vector<1x1024x768xf32> to vector<1024x768xf32>
    %swap3A_36 = vector.shape_cast %add3A_31 : vector<1024x768xf32> to vector<1x1024x768xf32>
    tpu.vector_store %arg7[%swap3A, %swap3A_32, %swap3A_33], %swap3A_36 {strides = array<i32>} : memref<1x1024x768xf32, #tpu.memory_space<vmem>>, vector<1x1024x768xf32>,
    return
  }
  func.func @transform_0(%arg0: i32, %arg1: i32) -> (i32, i32, i32) {
    %c0_i32 = arith.constant 0 : i32
    %c0_i32_0 = arith.constant 0 : i32
    return %arg1, %arg0, %c0_i32 : i32, i32, i32
  }
  func.func @transform_1(%arg0: i32, %arg1: i32) -> (i32, i32) {
    %add3A = arith.constant 2 : i32
    %add3A_0 = arith.addi %add3A, %arg0 : i32
    %c0_i32 = arith.constant 0 : i32
    %c0_i32_1 = arith.constant 0 : i32
    return %add3A_0, %c0_i32 : i32, i32
  }
  func.func @transform_2(%arg0: i32, %arg1: i32) -> (i32, i32) {
    %c0_i32 = arith.constant 0 : i32
    %c0_i32_0 = arith.constant 0 : i32
    %c0_i32_1 = arith.constant 0 : i32
    return %c0_i32, %c0_i32_0 : i32, i32
  }
  func.func @transform_3(%arg0: i32, %arg1: i32) -> (i32, i32) {
    %c0_i32 = arith.constant 0 : i32
    %c0_i32_0 = arith.constant 0 : i32
    %c0_i32_1 = arith.constant 0 : i32
    return %c0_i32, %c0_i32_0 : i32, i32
  }
  func.func @transform_5(%arg0: i32, %arg1: i32) -> (i32, i32, i32) {
    %add3A = arith.constant 2 : i32
    %add3A_0 = arith.addi %add3A, %arg0 : i32
    %c0_i32 = arith.constant 0 : i32
    %c0_i32_1 = arith.constant 0 : i32
    return %arg1, %add3A_0, %c0_i32 : i32, i32, i32
  }
}

module attributes {stable_mosaic.version = 14 : i64} {
  func.func @_lambda_(%arg0: i32, %arg1: i32, %arg2: memref<1x1024x768xf32, #tpu.memory_space<vmem>>, %arg3: memref<1024x768xf32, #tpu.memory_space<vmem>>, %arg4: memref<1x768xf32, #tpu.memory_space<vmem>>, %arg5: memref<1x768xf32, #tpu.memory_space<vmem>>, %arg6: memref<4x4096x768xf32, #tpu.memory_space<any>>, %arg7: memref<1x1024x768xf32, #tpu.memory_space<vmem>>) attributes {dimension_semantics = [#tpu.dimension_semantics<arbitrary>, #tpu.dimension_semantics<arbitrary>], iteration_bounds = array<i64: 1, 4>, scalar_prefetch = 0 : i64, scratch_operands = 0 : i64, tpu.core_type = #tpu.core_type<tc>, window_params = [{transform_indices = @transform_0, window_bounds = array<i64: 1, 1024, 768>}, {transform_indices = @transform_1, window_bounds = array<i64: 1024, 768>}, {pipeline_mode = #tpu.pipeline_mode<synchronous>, transform_indices = @transform_2, window_bounds = array<i64: 1, 768>}, {pipeline_mode = #tpu.pipeline_mode<synchronous>, transform_indices = @transform_3, window_bounds = array<i64: 1, 768>}, {}, {transform_indices = @transform_5, window_bounds = array<i64: 1, 1024, 768>}]} {
    %get3A = arith.constant 0 : index
    %get3A_0 = arith.constant 0 : index
    %get3A_1 = arith.constant 0 : index
    %get3A_2 = vector.load %arg2[%get3A, %get3A_0, %get3A_1] : memref<1x1024x768xf32, #tpu.memory_space<vmem>>, vector<1x1024x768xf32>
    %get3A_3 = vector.shape_cast %get3A_2 : vector<1x1024x768xf32> to vector<1024x768xf32>
    %get3A_4 = arith.constant 0 : index
    %get3A_5 = arith.constant 0 : index
    %get3A_6 = vector.load %arg3[%get3A_4, %get3A_5] : memref<1024x768xf32, #tpu.memory_space<vmem>>, vector<1024x768xf32>
    %add3A = arith.addf %get3A_3, %get3A_6 : vector<1024x768xf32>
    %reduce_sum3A = arith.constant dense<0.000000e+00> : vector<1024xf32>
    %reduce_sum3A_7 = vector.multi_reduction <add>, %add3A, %reduce_sum3A [1] : vector<1024x768xf32> to vector<1024xf32>
    %broadcast_in_dim3A = vector.shape_cast %reduce_sum3A_7 : vector<1024xf32> to vector<1024x1xf32>
    %div3A = arith.constant 7.680000e+02 : f32
    %div3A_8 = vector.broadcast %div3A : f32 to vector<1024x1xf32>
    %div3A_9 = arith.divf %broadcast_in_dim3A, %div3A_8 : vector<1024x1xf32>
    %sub3A = vector.broadcast %div3A_9 : vector<1024x1xf32> to vector<1024x768xf32>
    %sub3A_10 = arith.subf %add3A, %sub3A : vector<1024x768xf32>
    %mul3A = arith.mulf %sub3A_10, %sub3A_10 : vector<1024x768xf32>
    %reduce_sum3A_11 = arith.constant dense<0.000000e+00> : vector<1024xf32>
    %reduce_sum3A_12 = vector.multi_reduction <add>, %mul3A, %reduce_sum3A_11 [1] : vector<1024x768xf32> to vector<1024xf32>
    %broadcast_in_dim3A_13 = vector.shape_cast %reduce_sum3A_12 : vector<1024xf32> to vector<1024x1xf32>
    %div3A_14 = arith.constant 7.680000e+02 : f32
    %div3A_15 = vector.broadcast %div3A_14 : f32 to vector<1024x1xf32>
    %div3A_16 = arith.divf %broadcast_in_dim3A_13, %div3A_15 : vector<1024x1xf32>
    %add3A_17 = arith.constant 9.99999996E-13 : f32
    %add3A_18 = vector.broadcast %add3A_17 : f32 to vector<1024x1xf32>
    %add3A_19 = arith.addf %div3A_16, %add3A_18 : vector<1024x1xf32>
    %rsqrt3A = math.rsqrt %add3A_19 : vector<1024x1xf32>
    %mul3A_20 = vector.broadcast %rsqrt3A : vector<1024x1xf32> to vector<1024x768xf32>
    %mul3A_21 = arith.mulf %sub3A_10, %mul3A_20 : vector<1024x768xf32>
    %get3A_22 = arith.constant 0 : index
    %get3A_23 = arith.constant 0 : index
    %get3A_24 = vector.load %arg4[%get3A_22, %get3A_23] : memref<1x768xf32, #tpu.memory_space<vmem>>, vector<1x768xf32>
    %mul3A_25 = vector.broadcast %get3A_24 : vector<1x768xf32> to vector<1024x768xf32>
    %mul3A_26 = arith.mulf %mul3A_21, %mul3A_25 : vector<1024x768xf32>
    %get3A_27 = arith.constant 0 : index
    %get3A_28 = arith.constant 0 : index
    %get3A_29 = vector.load %arg5[%get3A_27, %get3A_28] : memref<1x768xf32, #tpu.memory_space<vmem>>, vector<1x768xf32>
    %add3A_30 = vector.broadcast %get3A_29 : vector<1x768xf32> to vector<1024x768xf32>
    %add3A_31 = arith.addf %mul3A_26, %add3A_30 : vector<1024x768xf32>
    %swap3A = arith.constant 0 : index
    %swap3A_32 = arith.constant 0 : index
    %swap3A_33 = arith.constant 0 : index
    %swap3A_34 = vector.load %arg7[%swap3A, %swap3A_32, %swap3A_33] : memref<1x1024x768xf32, #tpu.memory_space<vmem>>, vector<1x1024x768xf32>
    %swap3A_35 = vector.shape_cast %swap3A_34 : vector<1x1024x768xf32> to vector<1024x768xf32>
    %swap3A_36 = vector.shape_cast %add3A_31 : vector<1024x768xf32> to vector<1x1024x768xf32>
    tpu.vector_store %arg7[%swap3A, %swap3A_32, %swap3A_33], %swap3A_36 {strides = array<i32>} : memref<1x1024x768xf32, #tpu.memory_space<vmem>>, vector<1x1024x768xf32>,
    return
  }
  func.func @transform_0(%arg0: i32, %arg1: i32) -> (i32, i32, i32) {
    %c0_i32 = arith.constant 0 : i32
    %c0_i32_0 = arith.constant 0 : i32
    return %arg1, %arg0, %c0_i32 : i32, i32, i32
  }
  func.func @transform_1(%arg0: i32, %arg1: i32) -> (i32, i32) {
    %add3A = arith.constant 1 : i32
    %add3A_0 = arith.addi %add3A, %arg0 : i32
    %c0_i32 = arith.constant 0 : i32
    %c0_i32_1 = arith.constant 0 : i32
    return %add3A_0, %c0_i32 : i32, i32
  }
  func.func @transform_2(%arg0: i32, %arg1: i32) -> (i32, i32) {
    %c0_i32 = arith.constant 0 : i32
    %c0_i32_0 = arith.constant 0 : i32
    %c0_i32_1 = arith.constant 0 : i32
    return %c0_i32, %c0_i32_0 : i32, i32
  }
  func.func @transform_3(%arg0: i32, %arg1: i32) -> (i32, i32) {
    %c0_i32 = arith.constant 0 : i32
    %c0_i32_0 = arith.constant 0 : i32
    %c0_i32_1 = arith.constant 0 : i32
    return %c0_i32, %c0_i32_0 : i32, i32
  }
  func.func @transform_5(%arg0: i32, %arg1: i32) -> (i32, i32, i32) {
    %add3A = arith.constant 1 : i32
    %add3A_0 = arith.addi %add3A, %arg0 : i32
    %c0_i32 = arith.constant 0 : i32
    %c0_i32_1 = arith.constant 0 : i32
    return %arg1, %add3A_0, %c0_i32 : i32, i32, i32
  }
}

module attributes {stable_mosaic.version = 14 : i64} {
  func.func @_ln_body(%arg0: i32, %arg1: i32, %arg2: memref<1x1024x768xf32, #tpu.memory_space<vmem>>, %arg3: memref<1024x768xf32, #tpu.memory_space<vmem>>, %arg4: memref<1x768xf32, #tpu.memory_space<vmem>>, %arg5: memref<1x768xf32, #tpu.memory_space<vmem>>, %arg6: memref<1x1024x768xf32, #tpu.memory_space<vmem>>) attributes {dimension_semantics = [#tpu.dimension_semantics<arbitrary>, #tpu.dimension_semantics<arbitrary>], iteration_bounds = array<i64: 1, 4>, scalar_prefetch = 0 : i64, scratch_operands = 0 : i64, tpu.core_type = #tpu.core_type<tc>, window_params = [{transform_indices = @transform_0, window_bounds = array<i64: 1, 1024, 768>}, {transform_indices = @transform_1, window_bounds = array<i64: 1024, 768>}, {pipeline_mode = #tpu.pipeline_mode<synchronous>, transform_indices = @transform_2, window_bounds = array<i64: 1, 768>}, {pipeline_mode = #tpu.pipeline_mode<synchronous>, transform_indices = @transform_3, window_bounds = array<i64: 1, 768>}, {transform_indices = @transform_4, window_bounds = array<i64: 1, 1024, 768>}]} {
    %get3A = arith.constant 0 : index
    %get3A_0 = arith.constant 0 : index
    %get3A_1 = arith.constant 0 : index
    %get3A_2 = vector.load %arg2[%get3A, %get3A_0, %get3A_1] : memref<1x1024x768xf32, #tpu.memory_space<vmem>>, vector<1x1024x768xf32>
    %get3A_3 = vector.shape_cast %get3A_2 : vector<1x1024x768xf32> to vector<1024x768xf32>
    %get3A_4 = arith.constant 0 : index
    %get3A_5 = arith.constant 0 : index
    %get3A_6 = vector.load %arg3[%get3A_4, %get3A_5] : memref<1024x768xf32, #tpu.memory_space<vmem>>, vector<1024x768xf32>
    %add3A = arith.addf %get3A_3, %get3A_6 : vector<1024x768xf32>
    %reduce_sum3A = arith.constant dense<0.000000e+00> : vector<1024xf32>
    %reduce_sum3A_7 = vector.multi_reduction <add>, %add3A, %reduce_sum3A [1] : vector<1024x768xf32> to vector<1024xf32>
    %broadcast_in_dim3A = vector.shape_cast %reduce_sum3A_7 : vector<1024xf32> to vector<1024x1xf32>
    %div3A = arith.constant 7.680000e+02 : f32
    %div3A_8 = vector.broadcast %div3A : f32 to vector<1024x1xf32>
    %div3A_9 = arith.divf %broadcast_in_dim3A, %div3A_8 : vector<1024x1xf32>
    %sub3A = vector.broadcast %div3A_9 : vector<1024x1xf32> to vector<1024x768xf32>
    %sub3A_10 = arith.subf %add3A, %sub3A : vector<1024x768xf32>
    %mul3A = arith.mulf %sub3A_10, %sub3A_10 : vector<1024x768xf32>
    %reduce_sum3A_11 = arith.constant dense<0.000000e+00> : vector<1024xf32>
    %reduce_sum3A_12 = vector.multi_reduction <add>, %mul3A, %reduce_sum3A_11 [1] : vector<1024x768xf32> to vector<1024xf32>
    %broadcast_in_dim3A_13 = vector.shape_cast %reduce_sum3A_12 : vector<1024xf32> to vector<1024x1xf32>
    %div3A_14 = arith.constant 7.680000e+02 : f32
    %div3A_15 = vector.broadcast %div3A_14 : f32 to vector<1024x1xf32>
    %div3A_16 = arith.divf %broadcast_in_dim3A_13, %div3A_15 : vector<1024x1xf32>
    %add3A_17 = arith.constant 9.99999996E-13 : f32
    %add3A_18 = vector.broadcast %add3A_17 : f32 to vector<1024x1xf32>
    %add3A_19 = arith.addf %div3A_16, %add3A_18 : vector<1024x1xf32>
    %rsqrt3A = math.rsqrt %add3A_19 : vector<1024x1xf32>
    %mul3A_20 = vector.broadcast %rsqrt3A : vector<1024x1xf32> to vector<1024x768xf32>
    %mul3A_21 = arith.mulf %sub3A_10, %mul3A_20 : vector<1024x768xf32>
    %get3A_22 = arith.constant 0 : index
    %get3A_23 = arith.constant 0 : index
    %get3A_24 = vector.load %arg4[%get3A_22, %get3A_23] : memref<1x768xf32, #tpu.memory_space<vmem>>, vector<1x768xf32>
    %mul3A_25 = vector.broadcast %get3A_24 : vector<1x768xf32> to vector<1024x768xf32>
    %mul3A_26 = arith.mulf %mul3A_21, %mul3A_25 : vector<1024x768xf32>
    %get3A_27 = arith.constant 0 : index
    %get3A_28 = arith.constant 0 : index
    %get3A_29 = vector.load %arg5[%get3A_27, %get3A_28] : memref<1x768xf32, #tpu.memory_space<vmem>>, vector<1x768xf32>
    %add3A_30 = vector.broadcast %get3A_29 : vector<1x768xf32> to vector<1024x768xf32>
    %add3A_31 = arith.addf %mul3A_26, %add3A_30 : vector<1024x768xf32>
    %swap3A = arith.constant 0 : index
    %swap3A_32 = arith.constant 0 : index
    %swap3A_33 = arith.constant 0 : index
    %swap3A_34 = vector.load %arg6[%swap3A, %swap3A_32, %swap3A_33] : memref<1x1024x768xf32, #tpu.memory_space<vmem>>, vector<1x1024x768xf32>
    %swap3A_35 = vector.shape_cast %swap3A_34 : vector<1x1024x768xf32> to vector<1024x768xf32>
    %swap3A_36 = vector.shape_cast %add3A_31 : vector<1024x768xf32> to vector<1x1024x768xf32>
    tpu.vector_store %arg6[%swap3A, %swap3A_32, %swap3A_33], %swap3A_36 {strides = array<i32>} : memref<1x1024x768xf32, #tpu.memory_space<vmem>>, vector<1x1024x768xf32>,
    return
  }
  func.func @transform_0(%arg0: i32, %arg1: i32) -> (i32, i32, i32) {
    %c0_i32 = arith.constant 0 : i32
    %c0_i32_0 = arith.constant 0 : i32
    return %arg1, %arg0, %c0_i32 : i32, i32, i32
  }
  func.func @transform_1(%arg0: i32, %arg1: i32) -> (i32, i32) {
    %add3A = arith.constant 0 : i32
    %add3A_0 = arith.addi %add3A, %arg0 : i32
    %c0_i32 = arith.constant 0 : i32
    %c0_i32_1 = arith.constant 0 : i32
    return %add3A_0, %c0_i32 : i32, i32
  }
  func.func @transform_2(%arg0: i32, %arg1: i32) -> (i32, i32) {
    %c0_i32 = arith.constant 0 : i32
    %c0_i32_0 = arith.constant 0 : i32
    %c0_i32_1 = arith.constant 0 : i32
    return %c0_i32, %c0_i32_0 : i32, i32
  }
  func.func @transform_3(%arg0: i32, %arg1: i32) -> (i32, i32) {
    %c0_i32 = arith.constant 0 : i32
    %c0_i32_0 = arith.constant 0 : i32
    %c0_i32_1 = arith.constant 0 : i32
    return %c0_i32, %c0_i32_0 : i32, i32
  }
  func.func @transform_4(%arg0: i32, %arg1: i32) -> (i32, i32, i32) {
    %add3A = arith.constant 0 : i32
    %add3A_0 = arith.addi %add3A, %arg0 : i32
    %c0_i32 = arith.constant 0 : i32
    %c0_i32_1 = arith.constant 0 : i32
    return %arg1, %add3A_0, %c0_i32 : i32, i32, i32
  }
}

module attributes {stable_mosaic.version = 14 : i64} {
  func.func @_lambda_(%arg0: i32, %arg1: i32, %arg2: memref<1x1024x768xf32, #tpu.memory_space<vmem>>, %arg3: memref<1024x768xf32, #tpu.memory_space<vmem>>, %arg4: memref<1x768xf32, #tpu.memory_space<vmem>>, %arg5: memref<1x768xf32, #tpu.memory_space<vmem>>, %arg6: memref<4x4096x768xf32, #tpu.memory_space<any>>, %arg7: memref<1x1024x768xf32, #tpu.memory_space<vmem>>) attributes {dimension_semantics = [#tpu.dimension_semantics<arbitrary>, #tpu.dimension_semantics<arbitrary>], iteration_bounds = array<i64: 1, 4>, scalar_prefetch = 0 : i64, scratch_operands = 0 : i64, tpu.core_type = #tpu.core_type<tc>, window_params = [{transform_indices = @transform_0, window_bounds = array<i64: 1, 1024, 768>}, {transform_indices = @transform_1, window_bounds = array<i64: 1024, 768>}, {pipeline_mode = #tpu.pipeline_mode<synchronous>, transform_indices = @transform_2, window_bounds = array<i64: 1, 768>}, {pipeline_mode = #tpu.pipeline_mode<synchronous>, transform_indices = @transform_3, window_bounds = array<i64: 1, 768>}, {}, {transform_indices = @transform_5, window_bounds = array<i64: 1, 1024, 768>}]} {
    %get3A = arith.constant 0 : index
    %get3A_0 = arith.constant 0 : index
    %get3A_1 = arith.constant 0 : index
    %get3A_2 = vector.load %arg2[%get3A, %get3A_0, %get3A_1] : memref<1x1024x768xf32, #tpu.memory_space<vmem>>, vector<1x1024x768xf32>
    %get3A_3 = vector.shape_cast %get3A_2 : vector<1x1024x768xf32> to vector<1024x768xf32>
    %get3A_4 = arith.constant 0 : index
    %get3A_5 = arith.constant 0 : index
    %get3A_6 = vector.load %arg3[%get3A_4, %get3A_5] : memref<1024x768xf32, #tpu.memory_space<vmem>>, vector<1024x768xf32>
    %add3A = arith.addf %get3A_3, %get3A_6 : vector<1024x768xf32>
    %reduce_sum3A = arith.constant dense<0.000000e+00> : vector<1024xf32>
    %reduce_sum3A_7 = vector.multi_reduction <add>, %add3A, %reduce_sum3A [1] : vector<1024x768xf32> to vector<1024xf32>
    %broadcast_in_dim3A = vector.shape_cast %reduce_sum3A_7 : vector<1024xf32> to vector<1024x1xf32>
    %div3A = arith.constant 7.680000e+02 : f32
    %div3A_8 = vector.broadcast %div3A : f32 to vector<1024x1xf32>
    %div3A_9 = arith.divf %broadcast_in_dim3A, %div3A_8 : vector<1024x1xf32>
    %sub3A = vector.broadcast %div3A_9 : vector<1024x1xf32> to vector<1024x768xf32>
    %sub3A_10 = arith.subf %add3A, %sub3A : vector<1024x768xf32>
    %mul3A = arith.mulf %sub3A_10, %sub3A_10 : vector<1024x768xf32>
    %reduce_sum3A_11 = arith.constant dense<0.000000e+00> : vector<1024xf32>
    %reduce_sum3A_12 = vector.multi_reduction <add>, %mul3A, %reduce_sum3A_11 [1] : vector<1024x768xf32> to vector<1024xf32>
    %broadcast_in_dim3A_13 = vector.shape_cast %reduce_sum3A_12 : vector<1024xf32> to vector<1024x1xf32>
    %div3A_14 = arith.constant 7.680000e+02 : f32
    %div3A_15 = vector.broadcast %div3A_14 : f32 to vector<1024x1xf32>
    %div3A_16 = arith.divf %broadcast_in_dim3A_13, %div3A_15 : vector<1024x1xf32>
    %add3A_17 = arith.constant 9.99999996E-13 : f32
    %add3A_18 = vector.broadcast %add3A_17 : f32 to vector<1024x1xf32>
    %add3A_19 = arith.addf %div3A_16, %add3A_18 : vector<1024x1xf32>
    %rsqrt3A = math.rsqrt %add3A_19 : vector<1024x1xf32>
    %mul3A_20 = vector.broadcast %rsqrt3A : vector<1024x1xf32> to vector<1024x768xf32>
    %mul3A_21 = arith.mulf %sub3A_10, %mul3A_20 : vector<1024x768xf32>
    %get3A_22 = arith.constant 0 : index
    %get3A_23 = arith.constant 0 : index
    %get3A_24 = vector.load %arg4[%get3A_22, %get3A_23] : memref<1x768xf32, #tpu.memory_space<vmem>>, vector<1x768xf32>
    %mul3A_25 = vector.broadcast %get3A_24 : vector<1x768xf32> to vector<1024x768xf32>
    %mul3A_26 = arith.mulf %mul3A_21, %mul3A_25 : vector<1024x768xf32>
    %get3A_27 = arith.constant 0 : index
    %get3A_28 = arith.constant 0 : index
    %get3A_29 = vector.load %arg5[%get3A_27, %get3A_28] : memref<1x768xf32, #tpu.memory_space<vmem>>, vector<1x768xf32>
    %add3A_30 = vector.broadcast %get3A_29 : vector<1x768xf32> to vector<1024x768xf32>
    %add3A_31 = arith.addf %mul3A_26, %add3A_30 : vector<1024x768xf32>
    %swap3A = arith.constant 0 : index
    %swap3A_32 = arith.constant 0 : index
    %swap3A_33 = arith.constant 0 : index
    %swap3A_34 = vector.load %arg7[%swap3A, %swap3A_32, %swap3A_33] : memref<1x1024x768xf32, #tpu.memory_space<vmem>>, vector<1x1024x768xf32>
    %swap3A_35 = vector.shape_cast %swap3A_34 : vector<1x1024x768xf32> to vector<1024x768xf32>
    %swap3A_36 = vector.shape_cast %add3A_31 : vector<1024x768xf32> to vector<1x1024x768xf32>
    tpu.vector_store %arg7[%swap3A, %swap3A_32, %swap3A_33], %swap3A_36 {strides = array<i32>} : memref<1x1024x768xf32, #tpu.memory_space<vmem>>, vector<1x1024x768xf32>,
    return
  }
  func.func @transform_0(%arg0: i32, %arg1: i32) -> (i32, i32, i32) {
    %c0_i32 = arith.constant 0 : i32
    %c0_i32_0 = arith.constant 0 : i32
    return %arg1, %arg0, %c0_i32 : i32, i32, i32
  }
  func.func @transform_1(%arg0: i32, %arg1: i32) -> (i32, i32) {
    %add3A = arith.constant 3 : i32
    %add3A_0 = arith.addi %add3A, %arg0 : i32
    %c0_i32 = arith.constant 0 : i32
    %c0_i32_1 = arith.constant 0 : i32
    return %add3A_0, %c0_i32 : i32, i32
  }
  func.func @transform_2(%arg0: i32, %arg1: i32) -> (i32, i32) {
    %c0_i32 = arith.constant 0 : i32
    %c0_i32_0 = arith.constant 0 : i32
    %c0_i32_1 = arith.constant 0 : i32
    return %c0_i32, %c0_i32_0 : i32, i32
  }
  func.func @transform_3(%arg0: i32, %arg1: i32) -> (i32, i32) {
    %c0_i32 = arith.constant 0 : i32
    %c0_i32_0 = arith.constant 0 : i32
    %c0_i32_1 = arith.constant 0 : i32
    return %c0_i32, %c0_i32_0 : i32, i32
  }
  func.func @transform_5(%arg0: i32, %arg1: i32) -> (i32, i32, i32) {
    %add3A = arith.constant 3 : i32
    %add3A_0 = arith.addi %add3A, %arg0 : i32
    %c0_i32 = arith.constant 0 : i32
    %c0_i32_1 = arith.constant 0 : i32
    return %arg1, %add3A_0, %c0_i32 : i32, i32, i32
  }
}

</mosaic_0001>

<sc_bundles>
// kernel: kernel.10.cloned.1.call-start
scs
__scs_entry_jumppad:
0x0: {  	(pc) =	sbr.rel $0x88, $3  }
0x1: {  	(tag) =	ssettag $0x0;
	lr =	simm.s32 $0x1  }
0x2: {  	[smem:$0x3F9C] =	sst lr;
	_ =	strace $0xD0000000  }
0x3: {  	_ = 	snop  }
0x4: {  	_ = 	snop  }
0x5: {  	_ = 	snop  }
0x6: {  	_ = 	snop  }
0x7: {  	_ = 	snop  }
__scs_overlays_trampoline_lowered:
0x8: {  	[smem:$0x3FAB] =	sst s0  }
0x9: {  	[smem:$0x3FAC] =	sst s1  }
0xa: {  	[smem:$0x3FAD] =	sst s2  }
0xb: {  	[smem:$0x3FAE] =	sst s3  }
0xc: {  	[smem:$0x3FAF] =	sst s4  }
0xd: {  	[smem:$0x3FB0] =	sst s5  }
0xe: {  	[smem:$0x3FB1] =	sst s6  }
0xf: {  	[smem:$0x3FB2] =	sst s7  }
0x10: {  	[smem:$0x3FB3] =	sst s8  }
0x11: {  	[smem:$0x3FB4] =	sst s9;
	s0 =	simm.s32 @!p0 $0x0  }
0x12: {  	s1 =	sld [smem:$0x3F9A];
	s0 =	simm.s32 @p0 $0x1  }
0x13: {  	[smem:$0x3FB5] =	sst s0;
	s0 =	simm.s32 @!p1 $0x0  }
0x14: {  	s2 =	sld [smem:$0x3F99];
	s0 =	simm.s32 @p1 $0x1  }
0x15: {  	[smem:$0x3FB6] =	sst s0;
	s0 =	simm.s32 @!p2 $0x0  }
0x16: {  	s3 =	sld [smem:$0x3FDB];
	s0 =	simm.s32 @p2 $0x1  }
0x17: {  	s4 =	simm.s32 $0x1BF5;
	[smem:$0x3FB8] =	sst s0  }
0x18: {  	s0 =	sld [smem:$0x3F9B];
	_ =	swait.ge [sflag:s4], $0x0  }
0x19: {  	s7 =	sld [smem:$0x3F9C]  }
0x1a: {  	s8 =	sadd.s32 $0xFFFFE003, lr  }
0x1b: {  	s9 =	sadd.s32 $0xFFFFFEF7, lr;
	s5 =	simm.s32 $0xFFFFFFFF;
	p2 =	slt.u32 s8, $0xFFFFF086  }
0x1c: {  	p1 =	slt.u32 s9, $0xF7A;
	s5 =	simm.s32 @!p2 $0x0  }
0x1d: {  	s5 =	simm.s32 @p1 $0x1;
	p0 =	seq.s32 s7, s2  }
0x1e: {  	s7 =	smul.u32 @!p0 $0xF7A, s2;
	p2 =	seq.s32 @!p0 s5, $0x0  }
0x1f: {  	s9 =	smul.u32 $0xF7A, s1;
	s8 =	simm.s32 @!p0 $0x1BF5;
	p2 =	por !p2, p0  }
0x20: {  	[sflag:s8] =	ssyncset.s32 @!p0 $0xFFFFF086;
	s6 =	sadd.s32 @!p0 s3, s7;
	s7 =	simm.s32 @!p0 $0x108  }
0x21: {  	s3 =	sadd.s32 s3, s9;
	s6 =	sadd.s32 @!p0 $0x88, s6;
	s7 =	simm.s32 @p2 $0x1082  }
0x22: {  	[simem:s7], [sflag:s8] =	dma.local @!p0 [hbm:s6], $0xF7A  }
0x23: {  	s9 =	sor.u32 $0xD0000000, s2;
	s6 =	simm.s32 $0x108;
	_ =	swait.ge @!p0 [sflag:s8], $0x0  }
0x24: {  	s3 =	sadd.s32 $0x88, s3;
	s6 =	simm.s32 @!p1 $0x1082;
	[sflag:s4] =	ssyncset.s32 $0xFFFFF086  }
0x25: {  	[simem:s6], [sflag:s4] =	dma.local [hbm:s3], $0xF7A  }
0x26: {  	[smem:$0x3F9C] =	sst s1;
	(tag) =	ssettag s2;
	_ =	strace s9  }
0x27: {  	s1 =	sld [smem:$0x3FAC]  }
0x28: {  	s2 =	sld [smem:$0x3FAD]  }
0x29: {  	s4 =	sld [smem:$0x3FAF]  }
0x2a: {  	p0 =	seq.s32 s5, $0x0;
	s5 =	sld [smem:$0x3FB0]  }
0x2b: {  	s6 =	sld [smem:$0x3FB1]  }
0x2c: {  	s7 =	sld [smem:$0x3FB2]  }
0x2d: {  	s3 =	simm.s32 $0x108;
	s8 =	sld [smem:$0x3FB3]  }
0x2e: {  	s3 =	simm.s32 @!p0 $0x1082;
	s9 =	sld [smem:$0x3FB4]  }
0x2f: {  	lr =	sadd.s32 s0, s3;
	s0 =	sld [smem:$0x3FAB]  }
0x30: {  	s3 =	sld [smem:$0x3FAE]  }
0x31: {  	[smem:$0x3FB7] =	sst s10  }
0x32: {  	s10 =	sld [smem:$0x3FB5];
	_ =	sdelay $0x3  }
0x33: {  	p0 =	seq.s32 s10, $0x1;
	s10 =	sld [smem:$0x3FB7];
	_ =	sdelay $0x3  }
0x34: {  	[smem:$0x3FB7] =	sst s10  }
0x35: {  	s10 =	sld [smem:$0x3FB6];
	_ =	sdelay $0x3  }
0x36: {  	p1 =	seq.s32 s10, $0x1;
	s10 =	sld [smem:$0x3FB7];
	_ =	sdelay $0x3  }
0x37: {  	[smem:$0x3FB7] =	sst s10  }
0x38: {  	s10 =	sld [smem:$0x3FB8]  }
0x39: {  	_ = 	snop;
	(pc) =	sbr.ind lr, $3  }
0x3a: {  	_ = 	snop  }
0x3b: {  	_ = 	snop  }
0x3c: {  	p2 =	seq.s32 s10, $0x1;
	s10 =	sld [smem:$0x3FB7]  }
0x3d: {  	_ =	shalt  }
0x3e: {  	_ =	shalt  }
0x3f: {  	_ =	shalt  }
0x40: {  	_ =	shalt  }
0x41: {  	_ =	shalt  }
0x42: {  	_ =	shalt  }
0x43: {  	_ =	shalt  }
0x44: {  	_ =	shalt  }
0x45: {  	_ =	shalt  }
0x46: {  	_ =	shalt  }
0x47: {  	_ =	shalt  }
0x48: {  	_ =	shalt  }
0x49: {  	_ =	shalt  }
0x4a: {  	_ =	shalt  }
0x4b: {  	_ =	shalt  }
0x4c: {  	_ =	shalt  }
0x4d: {  	_ =	shalt  }
0x4e: {  	_ =	shalt  }
0x4f: {  	_ =	shalt  }
0x50: {  	_ =	shalt  }
0x51: {  	_ =	shalt  }
0x52: {  	_ =	shalt  }
0x53: {  	_ =	shalt  }
0x54: {  	_ =	shalt  }
0x55: {  	_ =	shalt  }
0x56: {  	_ =	shalt  }
0x57: {  	_ =	shalt  }
0x58: {  	_ =	shalt  }
0x59: {  	_ =	shalt  }
0x5a: {  	_ =	shalt  }
0x5b: {  	_ =	shalt  }
0x5c: {  	_ =	shalt  }
0x5d: {  	_ =	shalt  }
0x5e: {  	_ =	shalt  }
0x5f: {  	_ =	shalt  }
0x60: {  	_ =	shalt  }
0x61: {  	_ =	shalt  }
0x62: {  	_ =	shalt  }
0x63: {  	_ =	shalt  }
0x64: {  	_ =	shalt  }
0x65: {  	_ =	shalt  }
0x66: {  	_ =	shalt  }
0x67: {  	_ =	shalt  }
0x68: {  	_ =	shalt  }
0x69: {  	_ =	shalt  }
0x6a: {  	_ =	shalt  }
0x6b: {  	_ =	shalt  }
0x6c: {  	_ =	shalt  }
0x6d: {  	_ =	shalt  }
0x6e: {  	_ =	shalt  }
0x6f: {  	_ =	shalt  }
0x70: {  	_ =	shalt  }
0x71: {  	_ =	shalt  }
0x72: {  	_ =	shalt  }
0x73: {  	_ =	shalt  }
0x74: {  	_ =	shalt  }
0x75: {  	_ =	shalt  }
0x76: {  	_ =	shalt  }
0x77: {  	_ =	shalt  }
0x78: {  	_ =	shalt  }
0x79: {  	_ =	shalt  }
0x7a: {  	_ =	shalt  }
0x7b: {  	_ =	shalt  }
0x7c: {  	_ =	shalt  }
0x7d: {  	_ =	shalt  }
0x7e: {  	_ =	shalt  }
0x7f: {  	_ =	shalt  }
0x80: {  	_ =	shalt  }
0x81: {  	_ =	shalt  }
0x82: {  	_ =	shalt  }
0x83: {  	_ =	shalt  }
0x84: {  	_ =	shalt  }
0x85: {  	_ =	shalt  }
0x86: {  	_ =	shalt  }
0x87: {  	_ =	shalt  }
.Lfunc_end0:
.L_simem_size_0:
called_computation_lowered:
.L_overlay_start_0:
0x88: {  	s2 =	sld [smem:$0x3FD9]  }
0x89: {  	s3 =	sld [smem:$0x3FFE];
	_ =	sdelay $0x1  }
0x8a: {  	s1 =	srdreg.scid  }
0x8b: {  	s0 =	sand.u32 $0x1, s1  }
0x8c: {  	s17 =	sshll.u32 s0, $0xA;
	s2 =	sadd.s32 s3, s2  }
0x8d: {  	s2 =	sadd.s32 s2, s17  }
0x8e: {  	[smem:$0x3FC3] =	sst s2  }
0x8f: {  	_ = 	snop  }
0x90: {  	s2 =	sld [smem:$0x3FC8]  }
0x91: {  	s18 =	sld [smem:$0x3FD0];
	(tm) =	ssettm $0x1  }
0x92: {  	s4 =	sld [smem:$0x3FFB];
	_ =	sdelay $0x3  }
0x93: {  	_ =	strace s4  }
0x94: {  	s4 =	sld [smem:$0x3FFC];
	_ =	sdelay $0x3  }
0x95: {  	_ =	strace s4  }
0x96: {  	s4 =	sld [smem:$0x3FFD];
	_ =	sdelay $0x3  }
0x97: {  	_ =	strace s4  }
0x98: {  	_ =	strace $0x8FFFFFFF  }
0x99: {  	s19 =	sld [smem:$0x3FDB];
	_ =	sdelay $0x1  }
0x9a: {  	s5 =	simm.s32 $_scs_section_size  }
0x9b: {  	s6 =	simm.s32 $_size__tile_overlayer_lowered;
	s7 =	simm.s32 $_tile_overlayer_lowered  }
0x9c: {  	s22 =	simm.s32 $0x1BFF;
	s21 =	sshll.u32 s7, $0x1;
	s4 =	sadd.s32 s5, s19  }
0x9d: {  	s8 =	simm.s32 $0x0;
	s20 =	sshll.u32 s6, $0x1;
	s6 =	sadd.s32 s21, s4  }
0x9e: {  	[timem:s8], [sflag:s22] =	dma.local [hbm:s6], s20  }
0x9f: {  	_ =	swait.ge [sflag:s22], s20  }
0xa0: {  	s5 =	ssub.s32 $0x0, s20;
	[sflag:s22] =	ssyncset.done $0x0  }
0xa1: {  	[sflag:s22] =	ssyncadd.s32 s5;
	_ =	sdelay $0x1  }
0xa2: {  	s23 =	simm.s32 $0x1B8B  }
0xa3: {  	_ =	swait.ge [sflag:s23], $0x1  }
0xa4: {  	[sflag:s23] =	ssyncset.done $0x0  }
0xa5: {  	s25 =	simm.s32 $0x1B8E;
	s24 =	sld [smem:$0x3FFE];
	[sflag:s23] =	ssyncadd.s32 $0xFFFFFFFF  }
0xa6: {  	s26 =	simm.s32 $execute0_lowered;
	[smem:$0x3FD2] =	sst s25  }
0xa7: {  	s6 =	sshll.u32 s26, $0x1;
	_ =	strace $0x80000046;
	[dreg:$0x1] =	wrdreg $0xFFFFFFFF  }
0xa8: {  	s28 =	simm.s32 $_size_execute0_lowered;
	s4 =	sadd.s32 s4, s6;
	[dreg:$0x0] =	wrdreg $0x0  }
0xa9: {  	s6 =	sshll.u32 s28, $0x1;
	[dreg:$0x2] =	wrdreg s4  }
0xaa: {  	[dreg:$0x3] =	wrdreg s6  }
0xab: {  	[dreg:$0x4] =	wrdreg $0xC0  }
0xac: {  	_ =	task [dreg:s8], $0x5FFFF  }
0xad: {  	[dreg:$0x1] =	wrdreg $0xFFFFFFFF  }
0xae: {  	[dreg:$0x0] =	wrdreg $0x60  }
0xaf: {  	[dreg:$0x2] =	wrdreg s2  }
0xb0: {  	[dreg:$0x3] =	wrdreg s24  }
0xb1: {  	[dreg:$0x4] =	wrdreg s18  }
0xb2: {  	[dreg:$0x5] =	wrdreg $0x9  }
0xb3: {  	_ =	task.clear_ibuf [dreg:s8], $0x6FFFF;
	_ =	strace $0x90000046  }
0xb4: {  	s29 =	simm.s32 $0x9;
	_ =	strace $0x80000048  }
0xb5: {  	_ =	swait.ge [sflag:s29], $0x1  }
0xb6: {  	[sflag:s29] =	ssyncadd.s32 $0xFFFFFFFF  }
0xb7: {  	_ =	strace $0x90000048  }
0xb8: {  	_ =	sfence  }
0xb9: {  	s30 =	sld [smem:$0x0];
	_ =	sdelay $0x2  }
0xba: {  	s31 =	sshll.u32 s1, $0xD;
	s1 =	sshrl.u32 s1, $0x2  }
0xbb: {  	s3 =	sand.u32 $0x4000, s31;
	s1 =	sadd.s32 s1, s30  }
0xbc: {  	s0 =	sor.u32 s3, s0;
	s1 =	sshll.u32 s1, $0x11  }
0xbd: {  	s0 =	sor.u32 s1, s0  }
0xbe: {  	s0 =	sadd.s32 $0x8F2B, s0  }
0xbf: {  	[sflag:s0] =	ssyncadd.remote.s32 $0x1  }
0xc0: {  	_ =	sfence.sel $0xFFFF  }
0xc1: {  	[dreg:$0x0] =	wrdreg $0xFFFFFFFF;
	(pc) =	sbr.abs _section_cstart, $3  }
0xc2: {  	[dreg:$0x1] =	wrdreg $0xFFFFFFFF  }
0xc3: {  	_ =	task.clear_ibuf [dreg:s8], $0x2FFFF;
	_ =	strace $0x9FFFFFFF  }
0xc4: {  	(tm) =	ssettm $0x7FFFFFFF  }
0xc5: {  	_ =	shalt  }
tec
execute0_lowered:
.L_overlay_start_1:
0x0: {  	(tag) =	ssettag $0x1  }
0x1: {  	s2 =	srdreg.scid  }
0x2: {  	s1 =	rddreg [dreg:$0x0];
	s0 =	stileid.u32;
	s2 =	sand.u32 $0x1, s2  }
0x3: {  	s4 =	rddreg [dreg:$0x1];
	s3 =	sshll.u32 s0, $0x5;
	s5 =	sshll.u32 s2, $0x4  }
0x4: {  	s6 =	rddreg [dreg:$0x2];
	s5 =	sor.u32 s5, s3;
	s3 =	simm.s32 $0x0  }
0x5: {  	s23 =	simm.s32 $0x880;
	[smem:$0x7FF] =	sst s3  }
0x6: {  	s24 =	simm.s32 $0x1080;
	_ =	strace $0x80000047;
	[dreg:$0x7] =	wrdreg s23  }
0x7: {  	s25 =	simm.s32 $0x1880;
	[dreg:$0x8] =	wrdreg s24  }
0x8: {  	s26 =	simm.s32 $0x2080;
	[dreg:$0x9] =	wrdreg s25  }
0x9: {  	s0 =	simm.s32 $0x2880;
	[dreg:$0xa] =	wrdreg s26  }
0xa: {  	s8 =	simm.s32 $0x4880;
	s9 =	simm.s32 $0x5080;
	[dreg:$0xb] =	wrdreg s0  }
0xb: {  	s10 =	simm.s32 $0x5880;
	s11 =	simm.s32 $0x6080;
	[dreg:$0xf] =	wrdreg s8  }
0xc: {  	s12 =	simm.s32 $0x6880;
	s13 =	simm.s32 $0x7080;
	[dreg:$0x10] =	wrdreg s9  }
0xd: {  	s14 =	simm.s32 $0x7880;
	s15 =	simm.s32 $0x8080;
	[dreg:$0x11] =	wrdreg s10  }
0xe: {  	s16 =	simm.s32 $0x8880;
	s17 =	simm.s32 $0x9080;
	[dreg:$0x12] =	wrdreg s11  }
0xf: {  	s18 =	simm.s32 $0x9880;
	s28 =	simm.s32 $0x16880;
	[dreg:$0x13] =	wrdreg s12  }
0x10: {  	s29 =	simm.s32 $0x17080;
	s30 =	simm.s32 $0x17880;
	[dreg:$0x14] =	wrdreg s13  }
0x11: {  	s31 =	simm.s32 $0x1;
	s2 =	ssub.s32 $0x2, s2;
	[dreg:$0x15] =	wrdreg s14  }
0x12: {  	s19 =	sshrl.u32 s2, $0x1;
	s7 =	smul.u32 $0x1800, s5;
	[dreg:$0x16] =	wrdreg s15  }
0x13: {  	s4 =	sadd.s32 s5, s4;
	s5 =	smul.u32 $0x300, s5;
	[dreg:$0x17] =	wrdreg s16  }
0x14: {  	s2 =	ssub.s32 s2, s19;
	s19 =	simm.s32 $0x12880;
	[dreg:$0x18] =	wrdreg s17  }
0x15: {  	s4 =	sadd.s32 $0x2A00, s4;
	[dreg:$0x19] =	wrdreg s18;
	s23 =	simm.s32 $0xB880  }
0x16: {  	s24 =	simm.s32 $0xC880;
	s25 =	simm.s32 $0xD080;
	s8 =	simm.s32 $0x80  }
0x17: {  	s26 =	simm.s32 $0xD880;
	s9 =	simm.s32 $0xC080;
	s11 =	simm.s32 $0xE880  }
0x18: {  	s12 =	simm.s32 $0xF080;
	s13 =	simm.s32 $0xF880;
	s14 =	simm.s32 $0x10080  }
0x19: {  	s15 =	simm.s32 $0x10880;
	s16 =	simm.s32 $0x11080;
	[dreg:$0x4] =	wrdreg s4  }
0x1a: {  	s17 =	simm.s32 $0x11880;
	s18 =	simm.s32 $0x12080;
	[dreg:$0x1d] =	wrdreg s23  }
0x1b: {  	s7 =	sshrl.u32 s7, $0x3;
	s20 =	sadd.s32 s6, s5;
	[dreg:$0x1e] =	wrdreg s24  }
0x1c: {  	s5 =	simm.s32 $0x3080;
	s4 =	sadd.s32 $0x100, s1;
	[dreg:$0x1f] =	wrdreg s25  }
0x1d: {  	[smem:$0x7FD] =	sst s26;
	s23 =	simm.s32 $0x14880;
	s24 =	simm.s32 $0x15080  }
0x1e: {  	s25 =	simm.s32 $0x15880;
	s26 =	simm.s32 $0x16080;
	[dreg:$0x5] =	wrdreg s20  }
0x1f: {  	s21 =	sadd.s32 s6, s7;
	[dreg:$0xc] =	wrdreg s5;
	s6 =	simm.s32 $0x3880  }
0x20: {  	s7 =	simm.s32 $0x4080;
	s20 =	simm.s32 $0xA080;
	[dreg:$0xd] =	wrdreg s6  }
0x21: {  	s5 =	sadd.s32 $0x200, s1;
	s22 =	sadd.s32 $0x1800, s21;
	[dreg:$0xe] =	wrdreg s7  }
0x22: {  	[dreg:$0x1a] =	wrdreg s20;
	s21 =	simm.s32 $0xA880;
	s6 =	smax.u32 s2, $0x1  }
0x23: {  	v2 =	vlaneseq.u32;
	s7 =	simm.s32 $0x3;
	s20 =	simm.s32 $0x13080;
	[dreg:$0x6] =	wrdreg s22  }
0x24: {  	vm0 =	vmmov $0xffff;
	v1 =	vshrl.u32 v2, $0x3;
	s2 =	simm.s32 $0x2;
	[dreg:$0x1b] =	wrdreg s21;
	s22 =	simm.s32 $0xB080  }
0x25: {  	v0 =	vand.u32 $0x7, v2;
	v2 =	vor.u32 $0x8, v2;
	v1 =	vmul.u32 $0x8, v1;
	s21 =	simm.s32 $0x13880;
	[dreg:$0x1c] =	wrdreg s22;
	s22 =	simm.s32 $0x14080  }
.LBB2_1:
0x26: {  	s0 =	rddreg [dreg:$0x4]  }
0x27: {  	[tilespmem:s3], [sflag:$0x3] =	stream.linear.gather [hbm4b:s0+s3], $0x80, $0x38;
	[tilespmem:$0x18080] =	vst v63  }
0x28: {  	_ =	swait.ge [sflag:s7], $0x80  }
0x29: {  	[sflag:s7] =	ssyncset.done $0x0  }
0x2a: {  	[sflag:s7] =	ssyncadd.s32 $0xFFFFFF80  }
0x2b: {  	v3 =	vld [tilespmem:$0x0];
	_ =	sdelay $0x4  }
0x2c: {  	v4 =	vshrl.u32 v3, $0x3  }
0x2d: {  	v4 =	vmul.u32 $0x30, v4  }
0x2e: {  	v3 =	vand.u32 $0x7, v3  }
0x2f: {  	v3 =	vor.u32 v3, v4  }
0x30: {  	v4 =	vperm.xlane v3, v0;
	_ =	sdelay $0x1  }
0x31: {  	v4 =	vadd.s32 v1, v4;
	_ =	sdelay $0x3  }
0x32: {  	v3 =	vperm.xlane v3, v2  }
0x33: {  	[tilespmem:s8], [sflag:$0x1] =	stream.indirect_vreg.gather [hbm4b:s1+s3], $0x80, v4, vm0, $0xb8;
	[tilespmem:$0x18080] =	vst v63  }
0x34: {  	s0 =	rddreg [dreg:$0x7];
	v3 =	vadd.s32 v1, v3  }
0x35: {  	[tilespmem:s0], [sflag:$0x1] =	stream.indirect_vreg.gather [hbm4b:s4+s3], $0x80, v4, vm0, $0xb8;
	[tilespmem:$0x18080] =	vst v63  }
0x36: {  	s10 =	rddreg [dreg:$0x8]  }
0x37: {  	[tilespmem:s10], [sflag:$0x1] =	stream.indirect_vreg.gather [hbm4b:s5+s3], $0x80, v4, vm0, $0xb8;
	[tilespmem:$0x18080] =	vst v63  }
0x38: {  	s0 =	rddreg [dreg:$0x9]  }
0x39: {  	[tilespmem:s0], [sflag:$0x1] =	stream.indirect_vreg.gather [hbm4b:s1+s3], $0x80, v3, vm0, $0xb8;
	[tilespmem:$0x18080] =	vst v63  }
0x3a: {  	s10 =	rddreg [dreg:$0xa]  }
0x3b: {  	[tilespmem:s10], [sflag:$0x1] =	stream.indirect_vreg.gather [hbm4b:s4+s3], $0x80, v3, vm0, $0xb8;
	[tilespmem:$0x18080] =	vst v63  }
0x3c: {  	s0 =	rddreg [dreg:$0xb]  }
0x3d: {  	[tilespmem:s0], [sflag:$0x1] =	stream.indirect_vreg.gather [hbm4b:s5+s3], $0x80, v3, vm0, $0xb8;
	[tilespmem:$0x18080] =	vst v63  }
0x3e: {  	v3 =	vld [tilespmem:$0x10];
	_ =	sdelay $0x4  }
0x3f: {  	v57 =	vshrl.u32 v3, $0x3  }
0x40: {  	v4 =	vmul.u32 $0x30, v57  }
0x41: {  	v3 =	vand.u32 $0x7, v3  }
0x42: {  	v3 =	vor.u32 v3, v4  }
0x43: {  	v4 =	vperm.xlane v3, v0;
	_ =	sdelay $0x1  }
0x44: {  	v4 =	vadd.s32 v1, v4;
	_ =	sdelay $0x3  }
0x45: {  	s0 =	rddreg [dreg:$0xc];
	v3 =	vperm.xlane v3, v2  }
0x46: {  	[tilespmem:s0], [sflag:$0x1] =	stream.indirect_vreg.gather [hbm4b:s1+s3], $0x80, v4, vm0, $0xb8;
	[tilespmem:$0x18080] =	vst v63  }
0x47: {  	s10 =	rddreg [dreg:$0xd];
	v3 =	vadd.s32 v1, v3  }
0x48: {  	[tilespmem:s10], [sflag:$0x1] =	stream.indirect_vreg.gather [hbm4b:s4+s3], $0x80, v4, vm0, $0xb8;
	[tilespmem:$0x18080] =	vst v63  }
0x49: {  	s0 =	rddreg [dreg:$0xe]  }
0x4a: {  	[tilespmem:s0], [sflag:$0x1] =	stream.indirect_vreg.gather [hbm4b:s5+s3], $0x80, v4, vm0, $0xb8;
	[tilespmem:$0x18080] =	vst v63  }
0x4b: {  	s10 =	rddreg [dreg:$0xf]  }
0x4c: {  	[tilespmem:s10], [sflag:$0x1] =	stream.indirect_vreg.gather [hbm4b:s1+s3], $0x80, v3, vm0, $0xb8;
	[tilespmem:$0x18080] =	vst v63  }
0x4d: {  	s0 =	rddreg [dreg:$0x10]  }
0x4e: {  	[tilespmem:s0], [sflag:$0x1] =	stream.indirect_vreg.gather [hbm4b:s4+s3], $0x80, v3, vm0, $0xb8;
	[tilespmem:$0x18080] =	vst v63  }
0x4f: {  	s10 =	rddreg [dreg:$0x11]  }
0x50: {  	[tilespmem:s10], [sflag:$0x1] =	stream.indirect_vreg.gather [hbm4b:s5+s3], $0x80, v3, vm0, $0xb8;
	[tilespmem:$0x18080] =	vst v63  }
0x51: {  	v3 =	vld [tilespmem:$0x20];
	_ =	sdelay $0x4  }
0x52: {  	v58 =	vshrl.u32 v3, $0x3  }
0x53: {  	v4 =	vmul.u32 $0x30, v58  }
0x54: {  	v3 =	vand.u32 $0x7, v3  }
0x55: {  	v3 =	vor.u32 v3, v4  }
0x56: {  	v4 =	vperm.xlane v3, v0;
	_ =	sdelay $0x1  }
0x57: {  	v4 =	vadd.s32 v1, v4;
	_ =	sdelay $0x3  }
0x58: {  	s0 =	rddreg [dreg:$0x12];
	v3 =	vperm.xlane v3, v2  }
0x59: {  	[tilespmem:s0], [sflag:$0x1] =	stream.indirect_vreg.gather [hbm4b:s1+s3], $0x80, v4, vm0, $0xb8;
	[tilespmem:$0x18080] =	vst v63  }
0x5a: {  	s10 =	rddreg [dreg:$0x13];
	v3 =	vadd.s32 v1, v3  }
0x5b: {  	[tilespmem:s10], [sflag:$0x1] =	stream.indirect_vreg.gather [hbm4b:s4+s3], $0x80, v4, vm0, $0xb8;
	[tilespmem:$0x18080] =	vst v63  }
0x5c: {  	s0 =	rddreg [dreg:$0x14]  }
0x5d: {  	[tilespmem:s0], [sflag:$0x1] =	stream.indirect_vreg.gather [hbm4b:s5+s3], $0x80, v4, vm0, $0xb8;
	[tilespmem:$0x18080] =	vst v63  }
0x5e: {  	s10 =	rddreg [dreg:$0x15]  }
0x5f: {  	[tilespmem:s10], [sflag:$0x1] =	stream.indirect_vreg.gather [hbm4b:s1+s3], $0x80, v3, vm0, $0xb8;
	[tilespmem:$0x18080] =	vst v63  }
0x60: {  	s0 =	rddreg [dreg:$0x16]  }
0x61: {  	[tilespmem:s0], [sflag:$0x1] =	stream.indirect_vreg.gather [hbm4b:s4+s3], $0x80, v3, vm0, $0xb8;
	[tilespmem:$0x18080] =	vst v63  }
0x62: {  	s10 =	rddreg [dreg:$0x17]  }
0x63: {  	[tilespmem:s10], [sflag:$0x1] =	stream.indirect_vreg.gather [hbm4b:s5+s3], $0x80, v3, vm0, $0xb8;
	[tilespmem:$0x18080] =	vst v63  }
0x64: {  	v3 =	vld [tilespmem:$0x30];
	_ =	sdelay $0x4  }
0x65: {  	v59 =	vshrl.u32 v3, $0x3  }
0x66: {  	v4 =	vmul.u32 $0x30, v59  }
0x67: {  	v3 =	vand.u32 $0x7, v3  }
0x68: {  	v3 =	vor.u32 v3, v4  }
0x69: {  	v4 =	vperm.xlane v3, v0;
	_ =	sdelay $0x1  }
0x6a: {  	v4 =	vadd.s32 v1, v4;
	_ =	sdelay $0x3  }
0x6b: {  	s0 =	rddreg [dreg:$0x18];
	v3 =	vperm.xlane v3, v2  }
0x6c: {  	[tilespmem:s0], [sflag:$0x1] =	stream.indirect_vreg.gather [hbm4b:s1+s3], $0x80, v4, vm0, $0xb8;
	[tilespmem:$0x18080] =	vst v63  }
0x6d: {  	s10 =	rddreg [dreg:$0x19];
	v3 =	vadd.s32 v1, v3  }
0x6e: {  	[tilespmem:s10], [sflag:$0x1] =	stream.indirect_vreg.gather [hbm4b:s4+s3], $0x80, v4, vm0, $0xb8;
	[tilespmem:$0x18080] =	vst v63  }
0x6f: {  	s0 =	rddreg [dreg:$0x1a]  }
0x70: {  	[tilespmem:s0], [sflag:$0x1] =	stream.indirect_vreg.gather [hbm4b:s5+s3], $0x80, v4, vm0, $0xb8;
	[tilespmem:$0x18080] =	vst v63  }
0x71: {  	s10 =	rddreg [dreg:$0x1b]  }
0x72: {  	[tilespmem:s10], [sflag:$0x1] =	stream.indirect_vreg.gather [hbm4b:s1+s3], $0x80, v3, vm0, $0xb8;
	[tilespmem:$0x18080] =	vst v63  }
0x73: {  	s0 =	rddreg [dreg:$0x1c]  }
0x74: {  	[tilespmem:s0], [sflag:$0x1] =	stream.indirect_vreg.gather [hbm4b:s4+s3], $0x80, v3, vm0, $0xb8;
	[tilespmem:$0x18080] =	vst v63  }
0x75: {  	s10 =	rddreg [dreg:$0x1d]  }
0x76: {  	[tilespmem:s10], [sflag:$0x1] =	stream.indirect_vreg.gather [hbm4b:s5+s3], $0x80, v3, vm0, $0xb8;
	[tilespmem:$0x18080] =	vst v63  }
0x77: {  	v3 =	vld [tilespmem:$0x40];
	_ =	sdelay $0x4  }
0x78: {  	v60 =	vshrl.u32 v3, $0x3  }
0x79: {  	v4 =	vmul.u32 $0x30, v60  }
0x7a: {  	v3 =	vand.u32 $0x7, v3  }
0x7b: {  	v3 =	vor.u32 v3, v4  }
0x7c: {  	v4 =	vperm.xlane v3, v0;
	_ =	sdelay $0x1  }
0x7d: {  	v4 =	vadd.s32 v1, v4;
	_ =	sdelay $0x3  }
0x7e: {  	s0 =	rddreg [dreg:$0x1e];
	v3 =	vperm.xlane v3, v2  }
0x7f: {  	[tilespmem:s9], [sflag:$0x2] =	stream.indirect_vreg.gather [hbm4b:s1+s3], $0x80, v4, vm0, $0xb8;
	[tilespmem:$0x18080] =	vst v63  }
0x80: {  	s10 =	rddreg [dreg:$0x1f];
	v3 =	vadd.s32 v1, v3  }
0x81: {  	[tilespmem:s0], [sflag:$0x2] =	stream.indirect_vreg.gather [hbm4b:s4+s3], $0x80, v4, vm0, $0xb8;
	[tilespmem:$0x18080] =	vst v63  }
0x82: {  	s0 =	sld [smem:$0x7FD]  }
0x83: {  	[tilespmem:s10], [sflag:$0x2] =	stream.indirect_vreg.gather [hbm4b:s5+s3], $0x80, v4, vm0, $0xb8;
	[tilespmem:$0x18080] =	vst v63  }
0x84: {  	_ = 	snop  }
0x85: {  	[tilespmem:s0], [sflag:$0x2] =	stream.indirect_vreg.gather [hbm4b:s1+s3], $0x80, v3, vm0, $0xb8;
	[tilespmem:$0x18080] =	vst v63  }
0x86: {  	s10 =	simm.s32 $0xE080  }
0x87: {  	[tilespmem:s10], [sflag:$0x2] =	stream.indirect_vreg.gather [hbm4b:s4+s3], $0x80, v3, vm0, $0xb8;
	[tilespmem:$0x18080] =	vst v63  }
0x88: {  	_ = 	snop  }
0x89: {  	[tilespmem:s11], [sflag:$0x2] =	stream.indirect_vreg.gather [hbm4b:s5+s3], $0x80, v3, vm0, $0xb8;
	[tilespmem:$0x18080] =	vst v63  }
0x8a: {  	v3 =	vld [tilespmem:$0x50];
	_ =	sdelay $0x4  }
0x8b: {  	v61 =	vshrl.u32 v3, $0x3  }
0x8c: {  	v4 =	vmul.u32 $0x30, v61  }
0x8d: {  	v3 =	vand.u32 $0x7, v3  }
0x8e: {  	v3 =	vor.u32 v3, v4  }
0x8f: {  	v4 =	vperm.xlane v3, v0;
	_ =	sdelay $0x1  }
0x90: {  	v4 =	vadd.s32 v1, v4;
	_ =	sdelay $0x3  }
0x91: {  	v3 =	vperm.xlane v3, v2  }
0x92: {  	[tilespmem:s12], [sflag:$0x2] =	stream.indirect_vreg.gather [hbm4b:s1+s3], $0x80, v4, vm0, $0xb8;
	[tilespmem:$0x18080] =	vst v63  }
0x93: {  	v3 =	vadd.s32 v1, v3  }
0x94: {  	[tilespmem:s13], [sflag:$0x2] =	stream.indirect_vreg.gather [hbm4b:s4+s3], $0x80, v4, vm0, $0xb8;
	[tilespmem:$0x18080] =	vst v63  }
0x95: {  	_ = 	snop  }
0x96: {  	[tilespmem:s14], [sflag:$0x2] =	stream.indirect_vreg.gather [hbm4b:s5+s3], $0x80, v4, vm0, $0xb8;
	[tilespmem:$0x18080] =	vst v63  }
0x97: {  	_ = 	snop  }
0x98: {  	[tilespmem:s15], [sflag:$0x2] =	stream.indirect_vreg.gather [hbm4b:s1+s3], $0x80, v3, vm0, $0xb8;
	[tilespmem:$0x18080] =	vst v63  }
0x99: {  	_ = 	snop  }
0x9a: {  	[tilespmem:s16], [sflag:$0x2] =	stream.indirect_vreg.gather [hbm4b:s4+s3], $0x80, v3, vm0, $0xb8;
	[tilespmem:$0x18080] =	vst v63  }
0x9b: {  	_ = 	snop  }
0x9c: {  	[tilespmem:s17], [sflag:$0x2] =	stream.indirect_vreg.gather [hbm4b:s5+s3], $0x80, v3, vm0, $0xb8;
	[tilespmem:$0x18080] =	vst v63  }
0x9d: {  	v3 =	vld [tilespmem:$0x60];
	_ =	sdelay $0x4  }
0x9e: {  	v62 =	vshrl.u32 v3, $0x3  }
0x9f: {  	v4 =	vmul.u32 $0x30, v62  }
0xa0: {  	v3 =	vand.u32 $0x7, v3  }
0xa1: {  	v3 =	vor.u32 v3, v4  }
0xa2: {  	v4 =	vperm.xlane v3, v0;
	_ =	sdelay $0x1  }
0xa3: {  	v4 =	vadd.s32 v1, v4;
	_ =	sdelay $0x3  }
0xa4: {  	v3 =	vperm.xlane v3, v2  }
0xa5: {  	[tilespmem:s18], [sflag:$0x2] =	stream.indirect_vreg.gather [hbm4b:s1+s3], $0x80, v4, vm0, $0xb8;
	[tilespmem:$0x18080] =	vst v63  }
0xa6: {  	v3 =	vadd.s32 v1, v3  }
0xa7: {  	[tilespmem:s19], [sflag:$0x2] =	stream.indirect_vreg.gather [hbm4b:s4+s3], $0x80, v4, vm0, $0xb8;
	[tilespmem:$0x18080] =	vst v63  }
0xa8: {  	_ = 	snop  }
0xa9: {  	[tilespmem:s20], [sflag:$0x2] =	stream.indirect_vreg.gather [hbm4b:s5+s3], $0x80, v4, vm0, $0xb8;
	[tilespmem:$0x18080] =	vst v63  }
0xaa: {  	_ = 	snop  }
0xab: {  	[tilespmem:s21], [sflag:$0x2] =	stream.indirect_vreg.gather [hbm4b:s1+s3], $0x80, v3, vm0, $0xb8;
	[tilespmem:$0x18080] =	vst v63  }
0xac: {  	_ = 	snop  }
0xad: {  	[tilespmem:s22], [sflag:$0x2] =	stream.indirect_vreg.gather [hbm4b:s4+s3], $0x80, v3, vm0, $0xb8;
	[tilespmem:$0x18080] =	vst v63  }
0xae: {  	_ = 	snop  }
0xaf: {  	[tilespmem:s23], [sflag:$0x2] =	stream.indirect_vreg.gather [hbm4b:s5+s3], $0x80, v3, vm0, $0xb8;
	[tilespmem:$0x18080] =	vst v63  }
0xb0: {  	v3 =	vld [tilespmem:$0x70];
	_ =	sdelay $0x4  }
0xb1: {  	v63 =	vshrl.u32 v3, $0x3  }
0xb2: {  	v4 =	vmul.u32 $0x30, v63  }
0xb3: {  	v3 =	vand.u32 $0x7, v3  }
0xb4: {  	v3 =	vor.u32 v3, v4  }
0xb5: {  	v4 =	vperm.xlane v3, v0;
	_ =	sdelay $0x1  }
0xb6: {  	v4 =	vadd.s32 v1, v4;
	_ =	sdelay $0x3  }
0xb7: {  	v3 =	vperm.xlane v3, v2  }
0xb8: {  	[tilespmem:s24], [sflag:$0x2] =	stream.indirect_vreg.gather [hbm4b:s1+s3], $0x80, v4, vm0, $0xb8;
	[tilespmem:$0x18080] =	vst v63  }
0xb9: {  	v3 =	vadd.s32 v1, v3  }
0xba: {  	[tilespmem:s25], [sflag:$0x2] =	stream.indirect_vreg.gather [hbm4b:s4+s3], $0x80, v4, vm0, $0xb8;
	[tilespmem:$0x18080] =	vst v63  }
0xbb: {  	_ = 	snop  }
0xbc: {  	[tilespmem:s26], [sflag:$0x2] =	stream.indirect_vreg.gather [hbm4b:s5+s3], $0x80, v4, vm0, $0xb8;
	[tilespmem:$0x18080] =	vst v63  }
0xbd: {  	_ = 	snop  }
0xbe: {  	[tilespmem:s28], [sflag:$0x2] =	stream.indirect_vreg.gather [hbm4b:s1+s3], $0x80, v3, vm0, $0xb8;
	[tilespmem:$0x18080] =	vst v63  }
0xbf: {  	_ = 	snop  }
0xc0: {  	[tilespmem:s29], [sflag:$0x2] =	stream.indirect_vreg.gather [hbm4b:s4+s3], $0x80, v3, vm0, $0xb8;
	[tilespmem:$0x18080] =	vst v63  }
0xc1: {  	_ = 	snop  }
0xc2: {  	[tilespmem:s30], [sflag:$0x2] =	stream.indirect_vreg.gather [hbm4b:s5+s3], $0x80, v3, vm0, $0xb8;
	[tilespmem:$0x18080] =	vst v63  }
0xc3: {  	_ =	swait.ge [sflag:s31], $0xC000  }
0xc4: {  	[sflag:s31] =	ssyncset.done $0x0  }
0xc5: {  	s10 =	rddreg [dreg:$0x5];
	[sflag:s31] =	ssyncadd.s32 $0xFFFF4000  }
0xc6: {  	[hbm4b:s10+s3] =	stream.linear.scatter [tilespmem:s8], [sflag:$0x3], $0xC000, $0x38;
	[tilespmem:$0x18080] =	vst v63  }
0xc7: {  	_ =	swait.ge [sflag:s7], $0xC000  }
0xc8: {  	[sflag:s7] =	ssyncset.done $0x0  }
0xc9: {  	[sflag:s7] =	ssyncadd.s32 $0xFFFF4000  }
0xca: {  	_ =	swait.ge [sflag:s2], $0xC000  }
0xcb: {  	p0 =	sne.s32 s6, $0x1;
	[sflag:s2] =	ssyncset.done $0x0  }
.Ltmp0:
0xcc: {  	s10 =	rddreg [dreg:$0x6];
	[sflag:s2] =	ssyncadd.s32 $0xFFFF4000;
	(pc) =	sbr.rel @p0 .LBB2_1-.Ltmp0, $4  }
0xcd: {  	[hbm4b:s10+s3] =	stream.linear.scatter [tilespmem:s9], [sflag:$0x3], $0xC000, $0x38;
	[tilespmem:$0x18080] =	vst v63  }
0xce: {  	_ =	swait.ge [sflag:s7], $0xC000  }
0xcf: {  	[sflag:s7] =	ssyncset.done $0x0  }
0xd0: {  	s6 =	sadd.s32 $0xFFFFFFFF, s6;
	[sflag:s7] =	ssyncadd.s32 $0xFFFF4000  }
0xd1: {  	_ =	sfence.sel $0x180000  }
0xd2: {  	[bflag:$0x0] =	sbarrier.arrive $0xFFFF  }
0xd3: {  	_ =	strace $0x90000047  }
0xd4: {  	s0 =	stileid.u32;
	[bflag:$0x2] =	sbarrier.arrive $0xFFFF  }
0xd5: {  	p0 =	sne.s32 s0, $0x0;
	s0 =	rddreg [dreg:$0x3]  }
0xd6: {  	s0 =	sadd.s32 @!p0 $0x100000, s0  }
0xd7: {  	[sflag:s0] =	ssyncadd.tile.s32 @!p0 $0x1;
	_ =	shalt  }
.Lfunc_end2:
_tile_overlayer_lowered:
.L_overlay_start_2:
0xd8: {  	(tag) =	ssettag $0x2  }
0xd9: {  	s0 =	rddreg [dreg:$0x0];
	s2 =	stileid.u32  }
0xda: {  	s1 =	rddreg [dreg:$0x1];
	p0 =	sne.s32 s2, $0x0  }
0xdb: {  	s3 =	rddreg [dreg:$0x2];
	[bflag:$0x3] =	sbarrier.arrive $0xFFFF;
	s2 =	simm.s32 @!p0 $0x1C03  }
0xdc: {  	[timem:s3], [sflag:s2] =	dma.local @!p0 [hbm:s0], s1  }
0xdd: {  	s0 =	simm.s32 @!p0 $0x3  }
0xde: {  	_ =	swait.ge @!p0 [sflag:s0], s1  }
0xdf: {  	s1 =	ssub.s32 @!p0 $0x0, s1;
	[sflag:s0] =	ssyncset.done @!p0 $0x0  }
0xe0: {  	[sflag:s0] =	ssyncadd.s32 @!p0 s1  }
0xe1: {  	[bflag:$0x3] =	sbarrier.arrive $0xFFFF  }
0xe2: {  	_ =	shalt  }

// kernel: kernel.13.cloned.1.call-start
scs
__scs_entry_jumppad:
0x0: {  	(pc) =	sbr.rel $0x88, $3  }
0x1: {  	(tag) =	ssettag $0x0;
	lr =	simm.s32 $0x1  }
0x2: {  	[smem:$0x3F9C] =	sst lr;
	_ =	strace $0xD0000000  }
0x3: {  	_ = 	snop  }
0x4: {  	_ = 	snop  }
0x5: {  	_ = 	snop  }
0x6: {  	_ = 	snop  }
0x7: {  	_ = 	snop  }
__scs_overlays_trampoline_lowered:
0x8: {  	[smem:$0x3FAB] =	sst s0  }
0x9: {  	[smem:$0x3FAC] =	sst s1  }
0xa: {  	[smem:$0x3FAD] =	sst s2  }
0xb: {  	[smem:$0x3FAE] =	sst s3  }
0xc: {  	[smem:$0x3FAF] =	sst s4  }
0xd: {  	[smem:$0x3FB0] =	sst s5  }
0xe: {  	[smem:$0x3FB1] =	sst s6  }
0xf: {  	[smem:$0x3FB2] =	sst s7  }
0x10: {  	[smem:$0x3FB3] =	sst s8  }
0x11: {  	[smem:$0x3FB4] =	sst s9;
	s0 =	simm.s32 @!p0 $0x0  }
0x12: {  	s1 =	sld [smem:$0x3F9A];
	s0 =	simm.s32 @p0 $0x1  }
0x13: {  	[smem:$0x3FB5] =	sst s0;
	s0 =	simm.s32 @!p1 $0x0  }
0x14: {  	s2 =	sld [smem:$0x3F99];
	s0 =	simm.s32 @p1 $0x1  }
0x15: {  	[smem:$0x3FB6] =	sst s0;
	s0 =	simm.s32 @!p2 $0x0  }
0x16: {  	s3 =	sld [smem:$0x3FDB];
	s0 =	simm.s32 @p2 $0x1  }
0x17: {  	s4 =	simm.s32 $0x1BF5;
	[smem:$0x3FB8] =	sst s0  }
0x18: {  	s0 =	sld [smem:$0x3F9B];
	_ =	swait.ge [sflag:s4], $0x0  }
0x19: {  	s7 =	sld [smem:$0x3F9C]  }
0x1a: {  	s8 =	sadd.s32 $0xFFFFE003, lr  }
0x1b: {  	s9 =	sadd.s32 $0xFFFFFEF7, lr;
	s5 =	simm.s32 $0xFFFFFFFF;
	p2 =	slt.u32 s8, $0xFFFFF086  }
0x1c: {  	p1 =	slt.u32 s9, $0xF7A;
	s5 =	simm.s32 @!p2 $0x0  }
0x1d: {  	s5 =	simm.s32 @p1 $0x1;
	p0 =	seq.s32 s7, s2  }
0x1e: {  	s7 =	smul.u32 @!p0 $0xF7A, s2;
	p2 =	seq.s32 @!p0 s5, $0x0  }
0x1f: {  	s9 =	smul.u32 $0xF7A, s1;
	s8 =	simm.s32 @!p0 $0x1BF5;
	p2 =	por !p2, p0  }
0x20: {  	[sflag:s8] =	ssyncset.s32 @!p0 $0xFFFFF086;
	s6 =	sadd.s32 @!p0 s3, s7;
	s7 =	simm.s32 @!p0 $0x108  }
0x21: {  	s3 =	sadd.s32 s3, s9;
	s6 =	sadd.s32 @!p0 $0x88, s6;
	s7 =	simm.s32 @p2 $0x1082  }
0x22: {  	[simem:s7], [sflag:s8] =	dma.local @!p0 [hbm:s6], $0xF7A  }
0x23: {  	s9 =	sor.u32 $0xD0000000, s2;
	s6 =	simm.s32 $0x108;
	_ =	swait.ge @!p0 [sflag:s8], $0x0  }
0x24: {  	s3 =	sadd.s32 $0x88, s3;
	s6 =	simm.s32 @!p1 $0x1082;
	[sflag:s4] =	ssyncset.s32 $0xFFFFF086  }
0x25: {  	[simem:s6], [sflag:s4] =	dma.local [hbm:s3], $0xF7A  }
0x26: {  	[smem:$0x3F9C] =	sst s1;
	(tag) =	ssettag s2;
	_ =	strace s9  }
0x27: {  	s1 =	sld [smem:$0x3FAC]  }
0x28: {  	s2 =	sld [smem:$0x3FAD]  }
0x29: {  	s4 =	sld [smem:$0x3FAF]  }
0x2a: {  	p0 =	seq.s32 s5, $0x0;
	s5 =	sld [smem:$0x3FB0]  }
0x2b: {  	s6 =	sld [smem:$0x3FB1]  }
0x2c: {  	s7 =	sld [smem:$0x3FB2]  }
0x2d: {  	s3 =	simm.s32 $0x108;
	s8 =	sld [smem:$0x3FB3]  }
0x2e: {  	s3 =	simm.s32 @!p0 $0x1082;
	s9 =	sld [smem:$0x3FB4]  }
0x2f: {  	lr =	sadd.s32 s0, s3;
	s0 =	sld [smem:$0x3FAB]  }
0x30: {  	s3 =	sld [smem:$0x3FAE]  }
0x31: {  	[smem:$0x3FB7] =	sst s10  }
0x32: {  	s10 =	sld [smem:$0x3FB5];
	_ =	sdelay $0x3  }
0x33: {  	p0 =	seq.s32 s10, $0x1;
	s10 =	sld [smem:$0x3FB7];
	_ =	sdelay $0x3  }
0x34: {  	[smem:$0x3FB7] =	sst s10  }
0x35: {  	s10 =	sld [smem:$0x3FB6];
	_ =	sdelay $0x3  }
0x36: {  	p1 =	seq.s32 s10, $0x1;
	s10 =	sld [smem:$0x3FB7];
	_ =	sdelay $0x3  }
0x37: {  	[smem:$0x3FB7] =	sst s10  }
0x38: {  	s10 =	sld [smem:$0x3FB8]  }
0x39: {  	_ = 	snop;
	(pc) =	sbr.ind lr, $3  }
0x3a: {  	_ = 	snop  }
0x3b: {  	_ = 	snop  }
0x3c: {  	p2 =	seq.s32 s10, $0x1;
	s10 =	sld [smem:$0x3FB7]  }
0x3d: {  	_ =	shalt  }
0x3e: {  	_ =	shalt  }
0x3f: {  	_ =	shalt  }
0x40: {  	_ =	shalt  }
0x41: {  	_ =	shalt  }
0x42: {  	_ =	shalt  }
0x43: {  	_ =	shalt  }
0x44: {  	_ =	shalt  }
0x45: {  	_ =	shalt  }
0x46: {  	_ =	shalt  }
0x47: {  	_ =	shalt  }
0x48: {  	_ =	shalt  }
0x49: {  	_ =	shalt  }
0x4a: {  	_ =	shalt  }
0x4b: {  	_ =	shalt  }
0x4c: {  	_ =	shalt  }
0x4d: {  	_ =	shalt  }
0x4e: {  	_ =	shalt  }
0x4f: {  	_ =	shalt  }
0x50: {  	_ =	shalt  }
0x51: {  	_ =	shalt  }
0x52: {  	_ =	shalt  }
0x53: {  	_ =	shalt  }
0x54: {  	_ =	shalt  }
0x55: {  	_ =	shalt  }
0x56: {  	_ =	shalt  }
0x57: {  	_ =	shalt  }
0x58: {  	_ =	shalt  }
0x59: {  	_ =	shalt  }
0x5a: {  	_ =	shalt  }
0x5b: {  	_ =	shalt  }
0x5c: {  	_ =	shalt  }
0x5d: {  	_ =	shalt  }
0x5e: {  	_ =	shalt  }
0x5f: {  	_ =	shalt  }
0x60: {  	_ =	shalt  }
0x61: {  	_ =	shalt  }
0x62: {  	_ =	shalt  }
0x63: {  	_ =	shalt  }
0x64: {  	_ =	shalt  }
0x65: {  	_ =	shalt  }
0x66: {  	_ =	shalt  }
0x67: {  	_ =	shalt  }
0x68: {  	_ =	shalt  }
0x69: {  	_ =	shalt  }
0x6a: {  	_ =	shalt  }
0x6b: {  	_ =	shalt  }
0x6c: {  	_ =	shalt  }
0x6d: {  	_ =	shalt  }
0x6e: {  	_ =	shalt  }
0x6f: {  	_ =	shalt  }
0x70: {  	_ =	shalt  }
0x71: {  	_ =	shalt  }
0x72: {  	_ =	shalt  }
0x73: {  	_ =	shalt  }
0x74: {  	_ =	shalt  }
0x75: {  	_ =	shalt  }
0x76: {  	_ =	shalt  }
0x77: {  	_ =	shalt  }
0x78: {  	_ =	shalt  }
0x79: {  	_ =	shalt  }
0x7a: {  	_ =	shalt  }
0x7b: {  	_ =	shalt  }
0x7c: {  	_ =	shalt  }
0x7d: {  	_ =	shalt  }
0x7e: {  	_ =	shalt  }
0x7f: {  	_ =	shalt  }
0x80: {  	_ =	shalt  }
0x81: {  	_ =	shalt  }
0x82: {  	_ =	shalt  }
0x83: {  	_ =	shalt  }
0x84: {  	_ =	shalt  }
0x85: {  	_ =	shalt  }
0x86: {  	_ =	shalt  }
0x87: {  	_ =	shalt  }
.Lfunc_end0:
.L_simem_size_0:
called_computation.1_lowered:
.L_overlay_start_0:
0x88: {  	s2 =	sld [smem:$0x3FD9]  }
0x89: {  	s3 =	sld [smem:$0x3FFE];
	_ =	sdelay $0x1  }
0x8a: {  	s1 =	srdreg.scid  }
0x8b: {  	s0 =	sand.u32 $0x1, s1  }
0x8c: {  	s17 =	sshll.u32 s0, $0xA;
	s2 =	sadd.s32 s3, s2  }
0x8d: {  	s2 =	sadd.s32 s2, s17  }
0x8e: {  	[smem:$0x3FC3] =	sst s2  }
0x8f: {  	_ = 	snop  }
0x90: {  	s18 =	sld [smem:$0x3FC8];
	(tm) =	ssettm $0x1  }
0x91: {  	s19 =	sld [smem:$0x3FFB];
	_ =	sdelay $0x3  }
0x92: {  	_ =	strace s19  }
0x93: {  	s2 =	sld [smem:$0x3FFC];
	_ =	sdelay $0x3  }
0x94: {  	_ =	strace s2  }
0x95: {  	s2 =	sld [smem:$0x3FFD];
	_ =	sdelay $0x3  }
0x96: {  	_ =	strace s2  }
0x97: {  	_ =	strace $0x8FFFFFFF  }
0x98: {  	s20 =	sld [smem:$0x3FDB];
	_ =	sdelay $0x1  }
0x99: {  	s4 =	simm.s32 $_scs_section_size  }
0x9a: {  	s5 =	simm.s32 $_size__tile_overlayer_lowered;
	s6 =	simm.s32 $_tile_overlayer_lowered  }
0x9b: {  	s7 =	simm.s32 $0x1BFF;
	s21 =	sshll.u32 s6, $0x1;
	s4 =	sadd.s32 s4, s20  }
0x9c: {  	s22 =	simm.s32 $0x0;
	s5 =	sshll.u32 s5, $0x1;
	s6 =	sadd.s32 s21, s4  }
0x9d: {  	[timem:s22], [sflag:s7] =	dma.local [hbm:s6], s5  }
0x9e: {  	_ =	swait.ge [sflag:s7], s5  }
0x9f: {  	s5 =	ssub.s32 $0x0, s5;
	[sflag:s7] =	ssyncset.done $0x0  }
0xa0: {  	[sflag:s7] =	ssyncadd.s32 s5;
	_ =	sdelay $0x1  }
0xa1: {  	s23 =	simm.s32 $0x1B8B  }
0xa2: {  	_ =	swait.ge [sflag:s23], $0x1  }
0xa3: {  	[sflag:s23] =	ssyncset.done $0x0  }
0xa4: {  	[sflag:s23] =	ssyncadd.s32 $0xFFFFFFFF  }
0xa5: {  	s5 =	sld [smem:$0x0]  }
0xa6: {  	s6 =	sand.u32 $0xFFFFFFFE, s1  }
0xa7: {  	p0 =	sne.s32 s1, s6  }
0xa8: {  	s6 =	sshll.u32 @p0 s6, $0xE  }
0xa9: {  	s6 =	sadd.s32 @p0 $0x11B8D, s6;
	s7 =	sshll.u32 @p0 s5, $0x11  }
0xaa: {  	s6 =	sor.u32 @p0 s7, s6  }
0xab: {  	[sflag:s6] =	ssyncadd.remote.s32 @p0 $0x1;
	_ =	sdelay $0x1  }
0xac: {  	s6 =	simm.s32 @p0 $0x1B8D  }
0xad: {  	_ =	swait.eq @p0 [sflag:s6], $0x1  }
0xae: {  	[sflag:s6] =	ssyncadd.s32 @p0 $0xFFFFFFFF  }
0xaf: {  	s7 =	sshll.u32 @!p0 s1, $0xE  }
0xb0: {  	s7 =	sor.u32 @!p0 $0x4000, s7;
	s6 =	simm.s32 @!p0 $0x1B8D  }
0xb1: {  	s5 =	sshll.u32 @!p0 s5, $0x11;
	s7 =	sadd.s32 @!p0 $0x11B8D, s7;
	_ =	swait.eq @!p0 [sflag:s6], $0x1  }
0xb2: {  	s5 =	sor.u32 @!p0 s5, s7;
	[sflag:s6] =	ssyncadd.s32 @!p0 $0xFFFFFFFF  }
0xb3: {  	s25 =	simm.s32 $0x1B8E;
	s24 =	sld [smem:$0x3FFE];
	[sflag:s5] =	ssyncadd.remote.s32 @!p0 $0x1  }
0xb4: {  	s26 =	simm.s32 $execute0_lowered;
	[smem:$0x3FD2] =	sst s25  }
0xb5: {  	s6 =	sshll.u32 s26, $0x1;
	_ =	strace $0x80000049;
	[dreg:$0x1] =	wrdreg $0xFFFFFFFF  }
0xb6: {  	s28 =	simm.s32 $_size_execute0_lowered;
	s4 =	sadd.s32 s4, s6;
	[dreg:$0x0] =	wrdreg $0x0  }
0xb7: {  	s6 =	sshll.u32 s28, $0x1;
	[dreg:$0x2] =	wrdreg s4  }
0xb8: {  	[dreg:$0x3] =	wrdreg s6  }
0xb9: {  	[dreg:$0x4] =	wrdreg $0xC0  }
0xba: {  	_ =	task [dreg:s22], $0x5FFFF  }
0xbb: {  	[dreg:$0x1] =	wrdreg $0xFFFFFFFF  }
0xbc: {  	[dreg:$0x0] =	wrdreg $0x60  }
0xbd: {  	[dreg:$0x2] =	wrdreg s18  }
0xbe: {  	[dreg:$0x3] =	wrdreg s24  }
0xbf: {  	[dreg:$0x4] =	wrdreg $0xA  }
0xc0: {  	_ =	task.clear_ibuf [dreg:s22], $0x5FFFF;
	_ =	strace $0x90000049  }
0xc1: {  	s29 =	simm.s32 $0xA;
	_ =	strace $0x8000004B  }
0xc2: {  	_ =	swait.ge [sflag:s29], $0x1  }
0xc3: {  	[sflag:s29] =	ssyncadd.s32 $0xFFFFFFFF  }
0xc4: {  	_ =	strace $0x9000004B  }
0xc5: {  	_ =	sfence  }
0xc6: {  	s30 =	sld [smem:$0x0];
	_ =	sdelay $0x2  }
0xc7: {  	s31 =	sshll.u32 s1, $0xD;
	s1 =	sshrl.u32 s1, $0x2  }
0xc8: {  	s4 =	sand.u32 $0x4000, s31;
	s1 =	sadd.s32 s1, s30  }
0xc9: {  	s0 =	sor.u32 s4, s0;
	s1 =	sshll.u32 s1, $0x11  }
0xca: {  	s0 =	sor.u32 s1, s0  }
0xcb: {  	s0 =	sadd.s32 $0x8F2B, s0  }
0xcc: {  	[sflag:s0] =	ssyncadd.remote.s32 $0x1  }
0xcd: {  	_ =	sfence.sel $0xFFFF  }
0xce: {  	[dreg:$0x0] =	wrdreg $0xFFFFFFFF;
	(pc) =	sbr.abs _section_cstart, $3  }
0xcf: {  	[dreg:$0x1] =	wrdreg $0xFFFFFFFF  }
0xd0: {  	_ =	task.clear_ibuf [dreg:s22], $0x2FFFF;
	_ =	strace $0x9FFFFFFF  }
0xd1: {  	(tm) =	ssettm $0x7FFFFFFF  }
tec
execute0_lowered:
.L_overlay_start_1:
0x0: {  	(tag) =	ssettag $0x1  }
0x1: {  	s2 =	rddreg [dreg:$0x0]  }
0x2: {  	s4 =	rddreg [dreg:$0x1];
	s3 =	simm.s32 $0x0  }
0x3: {  	s23 =	simm.s32 $0x880;
	[smem:$0x7FF] =	sst s3  }
0x4: {  	s24 =	simm.s32 $0x1080;
	_ =	strace $0x8000004A;
	[dreg:$0x6] =	wrdreg s23  }
0x5: {  	s25 =	simm.s32 $0x1880;
	[dreg:$0x7] =	wrdreg s24  }
0x6: {  	s0 =	stileid.u32;
	s26 =	simm.s32 $0x2080;
	[dreg:$0x8] =	wrdreg s25  }
0x7: {  	s5 =	sshll.u32 s0, $0x5;
	s0 =	simm.s32 $0x2880;
	[dreg:$0x9] =	wrdreg s26  }
0x8: {  	s8 =	simm.s32 $0x4880;
	[dreg:$0xa] =	wrdreg s0  }
0x9: {  	s9 =	simm.s32 $0x5080;
	[dreg:$0xe] =	wrdreg s8  }
0xa: {  	s10 =	simm.s32 $0x5880;
	[dreg:$0xf] =	wrdreg s9  }
0xb: {  	s11 =	simm.s32 $0x6080;
	[dreg:$0x10] =	wrdreg s10  }
0xc: {  	s12 =	simm.s32 $0x6880;
	[dreg:$0x11] =	wrdreg s11  }
0xd: {  	s13 =	simm.s32 $0x7080;
	[dreg:$0x12] =	wrdreg s12  }
0xe: {  	s14 =	simm.s32 $0x7880;
	[dreg:$0x13] =	wrdreg s13  }
0xf: {  	s1 =	srdreg.scid;
	s15 =	simm.s32 $0x8080;
	[dreg:$0x14] =	wrdreg s14  }
0x10: {  	s16 =	simm.s32 $0x8880;
	s17 =	simm.s32 $0x9080;
	[dreg:$0x15] =	wrdreg s15  }
0x11: {  	s18 =	simm.s32 $0x9880;
	s20 =	simm.s32 $0xA080;
	[dreg:$0x16] =	wrdreg s16  }
0x12: {  	s21 =	simm.s32 $0xA880;
	s22 =	simm.s32 $0xB080;
	[dreg:$0x17] =	wrdreg s17  }
0x13: {  	s28 =	simm.s32 $0x16880;
	s29 =	simm.s32 $0x17080;
	[dreg:$0x18] =	wrdreg s18  }
0x14: {  	s30 =	simm.s32 $0x17880;
	s1 =	sand.u32 $0x1, s1;
	[dreg:$0x19] =	wrdreg s20  }
0x15: {  	s31 =	simm.s32 $0x1;
	s6 =	sshll.u32 s1, $0x4;
	[dreg:$0x1a] =	wrdreg s21  }
0x16: {  	s1 =	ssub.s32 $0x2, s1;
	[dreg:$0x1b] =	wrdreg s22;
	s23 =	simm.s32 $0xB880  }
0x17: {  	s24 =	simm.s32 $0xC880;
	s25 =	simm.s32 $0xD080;
	s8 =	simm.s32 $0x80  }
0x18: {  	s26 =	simm.s32 $0xD880;
	s9 =	simm.s32 $0xC080;
	s11 =	simm.s32 $0xE880  }
0x19: {  	s12 =	simm.s32 $0xF080;
	s13 =	simm.s32 $0xF880;
	s14 =	simm.s32 $0x10080  }
0x1a: {  	s15 =	simm.s32 $0x10880;
	s16 =	simm.s32 $0x11080;
	s17 =	simm.s32 $0x11880  }
0x1b: {  	s18 =	simm.s32 $0x12080;
	s20 =	simm.s32 $0x13080;
	[dreg:$0x1c] =	wrdreg s23  }
0x1c: {  	s21 =	simm.s32 $0x13880;
	s22 =	simm.s32 $0x14080;
	[dreg:$0x1d] =	wrdreg s24  }
0x1d: {  	s5 =	sor.u32 s6, s5;
	s19 =	sshrl.u32 s1, $0x1;
	[dreg:$0x1e] =	wrdreg s25  }
0x1e: {  	[dreg:$0x1f] =	wrdreg s26;
	s23 =	simm.s32 $0x14880;
	s24 =	simm.s32 $0x15080  }
0x1f: {  	s25 =	simm.s32 $0x15880;
	s26 =	simm.s32 $0x16080;
	s6 =	smul.u32 $0x1800, s5  }
0x20: {  	s7 =	sadd.s32 s5, s4;
	s5 =	smul.u32 $0x300, s5;
	s4 =	sadd.s32 $0x2E00, s4  }
0x21: {  	s1 =	ssub.s32 s1, s19;
	s19 =	simm.s32 $0x12880;
	s7 =	sadd.s32 $0x2C00, s7  }
0x22: {  	s6 =	sshrl.u32 s6, $0x3;
	[dreg:$0x3] =	wrdreg s7;
	s5 =	sadd.s32 s4, s5  }
0x23: {  	s7 =	simm.s32 $0x4080;
	s4 =	sadd.s32 s4, s6;
	[dreg:$0x4] =	wrdreg s5  }
0x24: {  	s5 =	simm.s32 $0x3080;
	s6 =	simm.s32 $0x3880;
	[dreg:$0xd] =	wrdreg s7  }
0x25: {  	v2 =	vlaneseq.u32;
	s7 =	simm.s32 $0x3;
	s4 =	sadd.s32 $0x1800, s4;
	[dreg:$0xb] =	wrdreg s5  }
0x26: {  	vm0 =	vmmov $0xffff;
	v1 =	vshrl.u32 v2, $0x3;
	[dreg:$0xc] =	wrdreg s6;
	s5 =	sadd.s32 $0x200, s2;
	s6 =	smax.u32 s1, $0x1  }
0x27: {  	v0 =	vand.u32 $0x7, v2;
	v2 =	vor.u32 $0x8, v2;
	v1 =	vmul.u32 $0x8, v1;
	s1 =	simm.s32 $0x2;
	[dreg:$0x5] =	wrdreg s4;
	s4 =	sadd.s32 $0x100, s2  }
.LBB2_1:
0x28: {  	s0 =	rddreg [dreg:$0x3]  }
0x29: {  	[tilespmem:s3], [sflag:$0x3] =	stream.linear.gather [hbm4b:s0+s3], $0x80, $0x38;
	[tilespmem:$0x18080] =	vst v63  }
0x2a: {  	_ =	swait.ge [sflag:s7], $0x80  }
0x2b: {  	[sflag:s7] =	ssyncset.done $0x0  }
0x2c: {  	[sflag:s7] =	ssyncadd.s32 $0xFFFFFF80  }
0x2d: {  	v3 =	vld [tilespmem:$0x0];
	_ =	sdelay $0x4  }
0x2e: {  	v4 =	vshrl.u32 v3, $0x3  }
0x2f: {  	v4 =	vmul.u32 $0x30, v4  }
0x30: {  	v3 =	vand.u32 $0x7, v3  }
0x31: {  	v3 =	vor.u32 v3, v4  }
0x32: {  	v4 =	vperm.xlane v3, v0;
	_ =	sdelay $0x1  }
0x33: {  	v4 =	vadd.s32 v1, v4;
	_ =	sdelay $0x3  }
0x34: {  	v3 =	vperm.xlane v3, v2  }
0x35: {  	[tilespmem:s8], [sflag:$0x1] =	stream.indirect_vreg.gather [hbm4b:s2+s3], $0x80, v4, vm0, $0xb8;
	[tilespmem:$0x18080] =	vst v63  }
0x36: {  	s0 =	rddreg [dreg:$0x6];
	v3 =	vadd.s32 v1, v3  }
0x37: {  	[tilespmem:s0], [sflag:$0x1] =	stream.indirect_vreg.gather [hbm4b:s4+s3], $0x80, v4, vm0, $0xb8;
	[tilespmem:$0x18080] =	vst v63  }
0x38: {  	s10 =	rddreg [dreg:$0x7]  }
0x39: {  	[tilespmem:s10], [sflag:$0x1] =	stream.indirect_vreg.gather [hbm4b:s5+s3], $0x80, v4, vm0, $0xb8;
	[tilespmem:$0x18080] =	vst v63  }
0x3a: {  	s0 =	rddreg [dreg:$0x8]  }
0x3b: {  	[tilespmem:s0], [sflag:$0x1] =	stream.indirect_vreg.gather [hbm4b:s2+s3], $0x80, v3, vm0, $0xb8;
	[tilespmem:$0x18080] =	vst v63  }
0x3c: {  	s10 =	rddreg [dreg:$0x9]  }
0x3d: {  	[tilespmem:s10], [sflag:$0x1] =	stream.indirect_vreg.gather [hbm4b:s4+s3], $0x80, v3, vm0, $0xb8;
	[tilespmem:$0x18080] =	vst v63  }
0x3e: {  	s0 =	rddreg [dreg:$0xa]  }
0x3f: {  	[tilespmem:s0], [sflag:$0x1] =	stream.indirect_vreg.gather [hbm4b:s5+s3], $0x80, v3, vm0, $0xb8;
	[tilespmem:$0x18080] =	vst v63  }
0x40: {  	v3 =	vld [tilespmem:$0x10];
	_ =	sdelay $0x4  }
0x41: {  	v57 =	vshrl.u32 v3, $0x3  }
0x42: {  	v4 =	vmul.u32 $0x30, v57  }
0x43: {  	v3 =	vand.u32 $0x7, v3  }
0x44: {  	v3 =	vor.u32 v3, v4  }
0x45: {  	v4 =	vperm.xlane v3, v0;
	_ =	sdelay $0x1  }
0x46: {  	v4 =	vadd.s32 v1, v4;
	_ =	sdelay $0x3  }
0x47: {  	s0 =	rddreg [dreg:$0xb];
	v3 =	vperm.xlane v3, v2  }
0x48: {  	[tilespmem:s0], [sflag:$0x1] =	stream.indirect_vreg.gather [hbm4b:s2+s3], $0x80, v4, vm0, $0xb8;
	[tilespmem:$0x18080] =	vst v63  }
0x49: {  	s10 =	rddreg [dreg:$0xc];
	v3 =	vadd.s32 v1, v3  }
0x4a: {  	[tilespmem:s10], [sflag:$0x1] =	stream.indirect_vreg.gather [hbm4b:s4+s3], $0x80, v4, vm0, $0xb8;
	[tilespmem:$0x18080] =	vst v63  }
0x4b: {  	s0 =	rddreg [dreg:$0xd]  }
0x4c: {  	[tilespmem:s0], [sflag:$0x1] =	stream.indirect_vreg.gather [hbm4b:s5+s3], $0x80, v4, vm0, $0xb8;
	[tilespmem:$0x18080] =	vst v63  }
0x4d: {  	s10 =	rddreg [dreg:$0xe]  }
0x4e: {  	[tilespmem:s10], [sflag:$0x1] =	stream.indirect_vreg.gather [hbm4b:s2+s3], $0x80, v3, vm0, $0xb8;
	[tilespmem:$0x18080] =	vst v63  }
0x4f: {  	s0 =	rddreg [dreg:$0xf]  }
0x50: {  	[tilespmem:s0], [sflag:$0x1] =	stream.indirect_vreg.gather [hbm4b:s4+s3], $0x80, v3, vm0, $0xb8;
	[tilespmem:$0x18080] =	vst v63  }
0x51: {  	s10 =	rddreg [dreg:$0x10]  }
0x52: {  	[tilespmem:s10], [sflag:$0x1] =	stream.indirect_vreg.gather [hbm4b:s5+s3], $0x80, v3, vm0, $0xb8;
	[tilespmem:$0x18080] =	vst v63  }
0x53: {  	v3 =	vld [tilespmem:$0x20];
	_ =	sdelay $0x4  }
0x54: {  	v58 =	vshrl.u32 v3, $0x3  }
0x55: {  	v4 =	vmul.u32 $0x30, v58  }
0x56: {  	v3 =	vand.u32 $0x7, v3  }
0x57: {  	v3 =	vor.u32 v3, v4  }
0x58: {  	v4 =	vperm.xlane v3, v0;
	_ =	sdelay $0x1  }
0x59: {  	v4 =	vadd.s32 v1, v4;
	_ =	sdelay $0x3  }
0x5a: {  	s0 =	rddreg [dreg:$0x11];
	v3 =	vperm.xlane v3, v2  }
0x5b: {  	[tilespmem:s0], [sflag:$0x1] =	stream.indirect_vreg.gather [hbm4b:s2+s3], $0x80, v4, vm0, $0xb8;
	[tilespmem:$0x18080] =	vst v63  }
0x5c: {  	s10 =	rddreg [dreg:$0x12];
	v3 =	vadd.s32 v1, v3  }
0x5d: {  	[tilespmem:s10], [sflag:$0x1] =	stream.indirect_vreg.gather [hbm4b:s4+s3], $0x80, v4, vm0, $0xb8;
	[tilespmem:$0x18080] =	vst v63  }
0x5e: {  	s0 =	rddreg [dreg:$0x13]  }
0x5f: {  	[tilespmem:s0], [sflag:$0x1] =	stream.indirect_vreg.gather [hbm4b:s5+s3], $0x80, v4, vm0, $0xb8;
	[tilespmem:$0x18080] =	vst v63  }
0x60: {  	s10 =	rddreg [dreg:$0x14]  }
0x61: {  	[tilespmem:s10], [sflag:$0x1] =	stream.indirect_vreg.gather [hbm4b:s2+s3], $0x80, v3, vm0, $0xb8;
	[tilespmem:$0x18080] =	vst v63  }
0x62: {  	s0 =	rddreg [dreg:$0x15]  }
0x63: {  	[tilespmem:s0], [sflag:$0x1] =	stream.indirect_vreg.gather [hbm4b:s4+s3], $0x80, v3, vm0, $0xb8;
	[tilespmem:$0x18080] =	vst v63  }
0x64: {  	s10 =	rddreg [dreg:$0x16]  }
0x65: {  	[tilespmem:s10], [sflag:$0x1] =	stream.indirect_vreg.gather [hbm4b:s5+s3], $0x80, v3, vm0, $0xb8;
	[tilespmem:$0x18080] =	vst v63  }
0x66: {  	v3 =	vld [tilespmem:$0x30];
	_ =	sdelay $0x4  }
0x67: {  	v59 =	vshrl.u32 v3, $0x3  }
0x68: {  	v4 =	vmul.u32 $0x30, v59  }
0x69: {  	v3 =	vand.u32 $0x7, v3  }
0x6a: {  	v3 =	vor.u32 v3, v4  }
0x6b: {  	v4 =	vperm.xlane v3, v0;
	_ =	sdelay $0x1  }
0x6c: {  	v4 =	vadd.s32 v1, v4;
	_ =	sdelay $0x3  }
0x6d: {  	s0 =	rddreg [dreg:$0x17];
	v3 =	vperm.xlane v3, v2  }
0x6e: {  	[tilespmem:s0], [sflag:$0x1] =	stream.indirect_vreg.gather [hbm4b:s2+s3], $0x80, v4, vm0, $0xb8;
	[tilespmem:$0x18080] =	vst v63  }
0x6f: {  	s10 =	rddreg [dreg:$0x18];
	v3 =	vadd.s32 v1, v3  }
0x70: {  	[tilespmem:s10], [sflag:$0x1] =	stream.indirect_vreg.gather [hbm4b:s4+s3], $0x80, v4, vm0, $0xb8;
	[tilespmem:$0x18080] =	vst v63  }
0x71: {  	s0 =	rddreg [dreg:$0x19]  }
0x72: {  	[tilespmem:s0], [sflag:$0x1] =	stream.indirect_vreg.gather [hbm4b:s5+s3], $0x80, v4, vm0, $0xb8;
	[tilespmem:$0x18080] =	vst v63  }
0x73: {  	s10 =	rddreg [dreg:$0x1a]  }
0x74: {  	[tilespmem:s10], [sflag:$0x1] =	stream.indirect_vreg.gather [hbm4b:s2+s3], $0x80, v3, vm0, $0xb8;
	[tilespmem:$0x18080] =	vst v63  }
0x75: {  	s0 =	rddreg [dreg:$0x1b]  }
0x76: {  	[tilespmem:s0], [sflag:$0x1] =	stream.indirect_vreg.gather [hbm4b:s4+s3], $0x80, v3, vm0, $0xb8;
	[tilespmem:$0x18080] =	vst v63  }
0x77: {  	s10 =	rddreg [dreg:$0x1c]  }
0x78: {  	[tilespmem:s10], [sflag:$0x1] =	stream.indirect_vreg.gather [hbm4b:s5+s3], $0x80, v3, vm0, $0xb8;
	[tilespmem:$0x18080] =	vst v63  }
0x79: {  	v3 =	vld [tilespmem:$0x40];
	_ =	sdelay $0x4  }
0x7a: {  	v60 =	vshrl.u32 v3, $0x3  }
0x7b: {  	v4 =	vmul.u32 $0x30, v60  }
0x7c: {  	v3 =	vand.u32 $0x7, v3  }
0x7d: {  	v3 =	vor.u32 v3, v4  }
0x7e: {  	v4 =	vperm.xlane v3, v0;
	_ =	sdelay $0x1  }
0x7f: {  	v4 =	vadd.s32 v1, v4;
	_ =	sdelay $0x3  }
0x80: {  	v3 =	vperm.xlane v3, v2  }
0x81: {  	[tilespmem:s9], [sflag:$0x2] =	stream.indirect_vreg.gather [hbm4b:s2+s3], $0x80, v4, vm0, $0xb8;
	[tilespmem:$0x18080] =	vst v63  }
0x82: {  	s0 =	rddreg [dreg:$0x1d];
	v3 =	vadd.s32 v1, v3  }
0x83: {  	[tilespmem:s0], [sflag:$0x2] =	stream.indirect_vreg.gather [hbm4b:s4+s3], $0x80, v4, vm0, $0xb8;
	[tilespmem:$0x18080] =	vst v63  }
0x84: {  	s10 =	rddreg [dreg:$0x1e]  }
0x85: {  	[tilespmem:s10], [sflag:$0x2] =	stream.indirect_vreg.gather [hbm4b:s5+s3], $0x80, v4, vm0, $0xb8;
	[tilespmem:$0x18080] =	vst v63  }
0x86: {  	s0 =	rddreg [dreg:$0x1f]  }
0x87: {  	[tilespmem:s0], [sflag:$0x2] =	stream.indirect_vreg.gather [hbm4b:s2+s3], $0x80, v3, vm0, $0xb8;
	[tilespmem:$0x18080] =	vst v63  }
0x88: {  	s10 =	simm.s32 $0xE080  }
0x89: {  	[tilespmem:s10], [sflag:$0x2] =	stream.indirect_vreg.gather [hbm4b:s4+s3], $0x80, v3, vm0, $0xb8;
	[tilespmem:$0x18080] =	vst v63  }
0x8a: {  	_ = 	snop  }
0x8b: {  	[tilespmem:s11], [sflag:$0x2] =	stream.indirect_vreg.gather [hbm4b:s5+s3], $0x80, v3, vm0, $0xb8;
	[tilespmem:$0x18080] =	vst v63  }
0x8c: {  	v3 =	vld [tilespmem:$0x50];
	_ =	sdelay $0x4  }
0x8d: {  	v61 =	vshrl.u32 v3, $0x3  }
0x8e: {  	v4 =	vmul.u32 $0x30, v61  }
0x8f: {  	v3 =	vand.u32 $0x7, v3  }
0x90: {  	v3 =	vor.u32 v3, v4  }
0x91: {  	v4 =	vperm.xlane v3, v0;
	_ =	sdelay $0x1  }
0x92: {  	v4 =	vadd.s32 v1, v4;
	_ =	sdelay $0x3  }
0x93: {  	v3 =	vperm.xlane v3, v2  }
0x94: {  	[tilespmem:s12], [sflag:$0x2] =	stream.indirect_vreg.gather [hbm4b:s2+s3], $0x80, v4, vm0, $0xb8;
	[tilespmem:$0x18080] =	vst v63  }
0x95: {  	v3 =	vadd.s32 v1, v3  }
0x96: {  	[tilespmem:s13], [sflag:$0x2] =	stream.indirect_vreg.gather [hbm4b:s4+s3], $0x80, v4, vm0, $0xb8;
	[tilespmem:$0x18080] =	vst v63  }
0x97: {  	_ = 	snop  }
0x98: {  	[tilespmem:s14], [sflag:$0x2] =	stream.indirect_vreg.gather [hbm4b:s5+s3], $0x80, v4, vm0, $0xb8;
	[tilespmem:$0x18080] =	vst v63  }
0x99: {  	_ = 	snop  }
0x9a: {  	[tilespmem:s15], [sflag:$0x2] =	stream.indirect_vreg.gather [hbm4b:s2+s3], $0x80, v3, vm0, $0xb8;
	[tilespmem:$0x18080] =	vst v63  }
0x9b: {  	_ = 	snop  }
0x9c: {  	[tilespmem:s16], [sflag:$0x2] =	stream.indirect_vreg.gather [hbm4b:s4+s3], $0x80, v3, vm0, $0xb8;
	[tilespmem:$0x18080] =	vst v63  }
0x9d: {  	_ = 	snop  }
0x9e: {  	[tilespmem:s17], [sflag:$0x2] =	stream.indirect_vreg.gather [hbm4b:s5+s3], $0x80, v3, vm0, $0xb8;
	[tilespmem:$0x18080] =	vst v63  }
0x9f: {  	v3 =	vld [tilespmem:$0x60];
	_ =	sdelay $0x4  }
0xa0: {  	v62 =	vshrl.u32 v3, $0x3  }
0xa1: {  	v4 =	vmul.u32 $0x30, v62  }
0xa2: {  	v3 =	vand.u32 $0x7, v3  }
0xa3: {  	v3 =	vor.u32 v3, v4  }
0xa4: {  	v4 =	vperm.xlane v3, v0;
	_ =	sdelay $0x1  }
0xa5: {  	v4 =	vadd.s32 v1, v4;
	_ =	sdelay $0x3  }
0xa6: {  	v3 =	vperm.xlane v3, v2  }
0xa7: {  	[tilespmem:s18], [sflag:$0x2] =	stream.indirect_vreg.gather [hbm4b:s2+s3], $0x80, v4, vm0, $0xb8;
	[tilespmem:$0x18080] =	vst v63  }
0xa8: {  	v3 =	vadd.s32 v1, v3  }
0xa9: {  	[tilespmem:s19], [sflag:$0x2] =	stream.indirect_vreg.gather [hbm4b:s4+s3], $0x80, v4, vm0, $0xb8;
	[tilespmem:$0x18080] =	vst v63  }
0xaa: {  	_ = 	snop  }
0xab: {  	[tilespmem:s20], [sflag:$0x2] =	stream.indirect_vreg.gather [hbm4b:s5+s3], $0x80, v4, vm0, $0xb8;
	[tilespmem:$0x18080] =	vst v63  }
0xac: {  	_ = 	snop  }
0xad: {  	[tilespmem:s21], [sflag:$0x2] =	stream.indirect_vreg.gather [hbm4b:s2+s3], $0x80, v3, vm0, $0xb8;
	[tilespmem:$0x18080] =	vst v63  }
0xae: {  	_ = 	snop  }
0xaf: {  	[tilespmem:s22], [sflag:$0x2] =	stream.indirect_vreg.gather [hbm4b:s4+s3], $0x80, v3, vm0, $0xb8;
	[tilespmem:$0x18080] =	vst v63  }
0xb0: {  	_ = 	snop  }
0xb1: {  	[tilespmem:s23], [sflag:$0x2] =	stream.indirect_vreg.gather [hbm4b:s5+s3], $0x80, v3, vm0, $0xb8;
	[tilespmem:$0x18080] =	vst v63  }
0xb2: {  	v3 =	vld [tilespmem:$0x70];
	_ =	sdelay $0x4  }
0xb3: {  	v63 =	vshrl.u32 v3, $0x3  }
0xb4: {  	v4 =	vmul.u32 $0x30, v63  }
0xb5: {  	v3 =	vand.u32 $0x7, v3  }
0xb6: {  	v3 =	vor.u32 v3, v4  }
0xb7: {  	v4 =	vperm.xlane v3, v0;
	_ =	sdelay $0x1  }
0xb8: {  	v4 =	vadd.s32 v1, v4;
	_ =	sdelay $0x3  }
0xb9: {  	v3 =	vperm.xlane v3, v2  }
0xba: {  	[tilespmem:s24], [sflag:$0x2] =	stream.indirect_vreg.gather [hbm4b:s2+s3], $0x80, v4, vm0, $0xb8;
	[tilespmem:$0x18080] =	vst v63  }
0xbb: {  	v3 =	vadd.s32 v1, v3  }
0xbc: {  	[tilespmem:s25], [sflag:$0x2] =	stream.indirect_vreg.gather [hbm4b:s4+s3], $0x80, v4, vm0, $0xb8;
	[tilespmem:$0x18080] =	vst v63  }
0xbd: {  	_ = 	snop  }
0xbe: {  	[tilespmem:s26], [sflag:$0x2] =	stream.indirect_vreg.gather [hbm4b:s5+s3], $0x80, v4, vm0, $0xb8;
	[tilespmem:$0x18080] =	vst v63  }
0xbf: {  	_ = 	snop  }
0xc0: {  	[tilespmem:s28], [sflag:$0x2] =	stream.indirect_vreg.gather [hbm4b:s2+s3], $0x80, v3, vm0, $0xb8;
	[tilespmem:$0x18080] =	vst v63  }
0xc1: {  	_ = 	snop  }
0xc2: {  	[tilespmem:s29], [sflag:$0x2] =	stream.indirect_vreg.gather [hbm4b:s4+s3], $0x80, v3, vm0, $0xb8;
	[tilespmem:$0x18080] =	vst v63  }
0xc3: {  	_ = 	snop  }
0xc4: {  	[tilespmem:s30], [sflag:$0x2] =	stream.indirect_vreg.gather [hbm4b:s5+s3], $0x80, v3, vm0, $0xb8;
	[tilespmem:$0x18080] =	vst v63  }
0xc5: {  	_ =	swait.ge [sflag:s31], $0xC000  }
0xc6: {  	[sflag:s31] =	ssyncset.done $0x0  }
0xc7: {  	s10 =	rddreg [dreg:$0x4];
	[sflag:s31] =	ssyncadd.s32 $0xFFFF4000  }
0xc8: {  	[hbm4b:s10+s3] =	stream.linear.scatter [tilespmem:s8], [sflag:$0x3], $0xC000, $0x38;
	[tilespmem:$0x18080] =	vst v63  }
0xc9: {  	_ =	swait.ge [sflag:s7], $0xC000  }
0xca: {  	[sflag:s7] =	ssyncset.done $0x0  }
0xcb: {  	[sflag:s7] =	ssyncadd.s32 $0xFFFF4000  }
0xcc: {  	_ =	swait.ge [sflag:s1], $0xC000  }
0xcd: {  	p0 =	sne.s32 s6, $0x1;
	[sflag:s1] =	ssyncset.done $0x0  }
.Ltmp0:
0xce: {  	s10 =	rddreg [dreg:$0x5];
	[sflag:s1] =	ssyncadd.s32 $0xFFFF4000;
	(pc) =	sbr.rel @p0 .LBB2_1-.Ltmp0, $4  }
0xcf: {  	[hbm4b:s10+s3] =	stream.linear.scatter [tilespmem:s9], [sflag:$0x3], $0xC000, $0x38;
	[tilespmem:$0x18080] =	vst v63  }
0xd0: {  	_ =	swait.ge [sflag:s7], $0xC000  }
0xd1: {  	[sflag:s7] =	ssyncset.done $0x0  }
0xd2: {  	s6 =	sadd.s32 $0xFFFFFFFF, s6;
	[sflag:s7] =	ssyncadd.s32 $0xFFFF4000  }
0xd3: {  	_ =	sfence.sel $0x180000  }
0xd4: {  	[bflag:$0x0] =	sbarrier.arrive $0xFFFF  }
0xd5: {  	_ =	strace $0x9000004A  }
0xd6: {  	s0 =	stileid.u32;
	[bflag:$0x2] =	sbarrier.arrive $0xFFFF  }
0xd7: {  	p0 =	sne.s32 s0, $0x0;
	s0 =	rddreg [dreg:$0x2]  }
0xd8: {  	s0 =	sadd.s32 @!p0 $0x100000, s0  }
0xd9: {  	[sflag:s0] =	ssyncadd.tile.s32 @!p0 $0x1;
	_ =	shalt  }
.Lfunc_end2:
_tile_overlayer_lowered:
.L_overlay_start_2:
0xda: {  	(tag) =	ssettag $0x2  }
0xdb: {  	s0 =	rddreg [dreg:$0x0];
	s2 =	stileid.u32  }
0xdc: {  	s1 =	rddreg [dreg:$0x1];
	p0 =	sne.s32 s2, $0x0  }
0xdd: {  	s3 =	rddreg [dreg:$0x2];
	[bflag:$0x3] =	sbarrier.arrive $0xFFFF;
	s2 =	simm.s32 @!p0 $0x1C03  }
0xde: {  	[timem:s3], [sflag:s2] =	dma.local @!p0 [hbm:s0], s1  }
0xdf: {  	s0 =	simm.s32 @!p0 $0x3  }
0xe0: {  	_ =	swait.ge @!p0 [sflag:s0], s1  }
0xe1: {  	s1 =	ssub.s32 @!p0 $0x0, s1;
	[sflag:s0] =	ssyncset.done @!p0 $0x0  }
0xe2: {  	[sflag:s0] =	ssyncadd.s32 @!p0 s1  }
0xe3: {  	[bflag:$0x3] =	sbarrier.arrive $0xFFFF  }
0xe4: {  	_ =	shalt  }

// kernel: kernel.16.cloned.1.call-start
scs
__scs_entry_jumppad:
0x0: {  	(pc) =	sbr.rel $0x88, $3  }
0x1: {  	(tag) =	ssettag $0x0;
	lr =	simm.s32 $0x1  }
0x2: {  	[smem:$0x3F9C] =	sst lr;
	_ =	strace $0xD0000000  }
0x3: {  	_ = 	snop  }
0x4: {  	_ = 	snop  }
0x5: {  	_ = 	snop  }
0x6: {  	_ = 	snop  }
0x7: {  	_ = 	snop  }
__scs_overlays_trampoline_lowered:
0x8: {  	[smem:$0x3FAB] =	sst s0  }
0x9: {  	[smem:$0x3FAC] =	sst s1  }
0xa: {  	[smem:$0x3FAD] =	sst s2  }
0xb: {  	[smem:$0x3FAE] =	sst s3  }
0xc: {  	[smem:$0x3FAF] =	sst s4  }
0xd: {  	[smem:$0x3FB0] =	sst s5  }
0xe: {  	[smem:$0x3FB1] =	sst s6  }
0xf: {  	[smem:$0x3FB2] =	sst s7  }
0x10: {  	[smem:$0x3FB3] =	sst s8  }
0x11: {  	[smem:$0x3FB4] =	sst s9;
	s0 =	simm.s32 @!p0 $0x0  }
0x12: {  	s1 =	sld [smem:$0x3F9A];
	s0 =	simm.s32 @p0 $0x1  }
0x13: {  	[smem:$0x3FB5] =	sst s0;
	s0 =	simm.s32 @!p1 $0x0  }
0x14: {  	s2 =	sld [smem:$0x3F99];
	s0 =	simm.s32 @p1 $0x1  }
0x15: {  	[smem:$0x3FB6] =	sst s0;
	s0 =	simm.s32 @!p2 $0x0  }
0x16: {  	s3 =	sld [smem:$0x3FDB];
	s0 =	simm.s32 @p2 $0x1  }
0x17: {  	s4 =	simm.s32 $0x1BF5;
	[smem:$0x3FB8] =	sst s0  }
0x18: {  	s0 =	sld [smem:$0x3F9B];
	_ =	swait.ge [sflag:s4], $0x0  }
0x19: {  	s7 =	sld [smem:$0x3F9C]  }
0x1a: {  	s8 =	sadd.s32 $0xFFFFE003, lr  }
0x1b: {  	s9 =	sadd.s32 $0xFFFFFEF7, lr;
	s5 =	simm.s32 $0xFFFFFFFF;
	p2 =	slt.u32 s8, $0xFFFFF086  }
0x1c: {  	p1 =	slt.u32 s9, $0xF7A;
	s5 =	simm.s32 @!p2 $0x0  }
0x1d: {  	s5 =	simm.s32 @p1 $0x1;
	p0 =	seq.s32 s7, s2  }
0x1e: {  	s7 =	smul.u32 @!p0 $0xF7A, s2;
	p2 =	seq.s32 @!p0 s5, $0x0  }
0x1f: {  	s9 =	smul.u32 $0xF7A, s1;
	s8 =	simm.s32 @!p0 $0x1BF5;
	p2 =	por !p2, p0  }
0x20: {  	[sflag:s8] =	ssyncset.s32 @!p0 $0xFFFFF086;
	s6 =	sadd.s32 @!p0 s3, s7;
	s7 =	simm.s32 @!p0 $0x108  }
0x21: {  	s3 =	sadd.s32 s3, s9;
	s6 =	sadd.s32 @!p0 $0x88, s6;
	s7 =	simm.s32 @p2 $0x1082  }
0x22: {  	[simem:s7], [sflag:s8] =	dma.local @!p0 [hbm:s6], $0xF7A  }
0x23: {  	s9 =	sor.u32 $0xD0000000, s2;
	s6 =	simm.s32 $0x108;
	_ =	swait.ge @!p0 [sflag:s8], $0x0  }
0x24: {  	s3 =	sadd.s32 $0x88, s3;
	s6 =	simm.s32 @!p1 $0x1082;
	[sflag:s4] =	ssyncset.s32 $0xFFFFF086  }
0x25: {  	[simem:s6], [sflag:s4] =	dma.local [hbm:s3], $0xF7A  }
0x26: {  	[smem:$0x3F9C] =	sst s1;
	(tag) =	ssettag s2;
	_ =	strace s9  }
0x27: {  	s1 =	sld [smem:$0x3FAC]  }
0x28: {  	s2 =	sld [smem:$0x3FAD]  }
0x29: {  	s4 =	sld [smem:$0x3FAF]  }
0x2a: {  	p0 =	seq.s32 s5, $0x0;
	s5 =	sld [smem:$0x3FB0]  }
0x2b: {  	s6 =	sld [smem:$0x3FB1]  }
0x2c: {  	s7 =	sld [smem:$0x3FB2]  }
0x2d: {  	s3 =	simm.s32 $0x108;
	s8 =	sld [smem:$0x3FB3]  }
0x2e: {  	s3 =	simm.s32 @!p0 $0x1082;
	s9 =	sld [smem:$0x3FB4]  }
0x2f: {  	lr =	sadd.s32 s0, s3;
	s0 =	sld [smem:$0x3FAB]  }
0x30: {  	s3 =	sld [smem:$0x3FAE]  }
0x31: {  	[smem:$0x3FB7] =	sst s10  }
0x32: {  	s10 =	sld [smem:$0x3FB5];
	_ =	sdelay $0x3  }
0x33: {  	p0 =	seq.s32 s10, $0x1;
	s10 =	sld [smem:$0x3FB7];
	_ =	sdelay $0x3  }
0x34: {  	[smem:$0x3FB7] =	sst s10  }
0x35: {  	s10 =	sld [smem:$0x3FB6];
	_ =	sdelay $0x3  }
0x36: {  	p1 =	seq.s32 s10, $0x1;
	s10 =	sld [smem:$0x3FB7];
	_ =	sdelay $0x3  }
0x37: {  	[smem:$0x3FB7] =	sst s10  }
0x38: {  	s10 =	sld [smem:$0x3FB8]  }
0x39: {  	_ = 	snop;
	(pc) =	sbr.ind lr, $3  }
0x3a: {  	_ = 	snop  }
0x3b: {  	_ = 	snop  }
0x3c: {  	p2 =	seq.s32 s10, $0x1;
	s10 =	sld [smem:$0x3FB7]  }
0x3d: {  	_ =	shalt  }
0x3e: {  	_ =	shalt  }
0x3f: {  	_ =	shalt  }
0x40: {  	_ =	shalt  }
0x41: {  	_ =	shalt  }
0x42: {  	_ =	shalt  }
0x43: {  	_ =	shalt  }
0x44: {  	_ =	shalt  }
0x45: {  	_ =	shalt  }
0x46: {  	_ =	shalt  }
0x47: {  	_ =	shalt  }
0x48: {  	_ =	shalt  }
0x49: {  	_ =	shalt  }
0x4a: {  	_ =	shalt  }
0x4b: {  	_ =	shalt  }
0x4c: {  	_ =	shalt  }
0x4d: {  	_ =	shalt  }
0x4e: {  	_ =	shalt  }
0x4f: {  	_ =	shalt  }
0x50: {  	_ =	shalt  }
0x51: {  	_ =	shalt  }
0x52: {  	_ =	shalt  }
0x53: {  	_ =	shalt  }
0x54: {  	_ =	shalt  }
0x55: {  	_ =	shalt  }
0x56: {  	_ =	shalt  }
0x57: {  	_ =	shalt  }
0x58: {  	_ =	shalt  }
0x59: {  	_ =	shalt  }
0x5a: {  	_ =	shalt  }
0x5b: {  	_ =	shalt  }
0x5c: {  	_ =	shalt  }
0x5d: {  	_ =	shalt  }
0x5e: {  	_ =	shalt  }
0x5f: {  	_ =	shalt  }
0x60: {  	_ =	shalt  }
0x61: {  	_ =	shalt  }
0x62: {  	_ =	shalt  }
0x63: {  	_ =	shalt  }
0x64: {  	_ =	shalt  }
0x65: {  	_ =	shalt  }
0x66: {  	_ =	shalt  }
0x67: {  	_ =	shalt  }
0x68: {  	_ =	shalt  }
0x69: {  	_ =	shalt  }
0x6a: {  	_ =	shalt  }
0x6b: {  	_ =	shalt  }
0x6c: {  	_ =	shalt  }
0x6d: {  	_ =	shalt  }
0x6e: {  	_ =	shalt  }
0x6f: {  	_ =	shalt  }
0x70: {  	_ =	shalt  }
0x71: {  	_ =	shalt  }
0x72: {  	_ =	shalt  }
0x73: {  	_ =	shalt  }
0x74: {  	_ =	shalt  }
0x75: {  	_ =	shalt  }
0x76: {  	_ =	shalt  }
0x77: {  	_ =	shalt  }
0x78: {  	_ =	shalt  }
0x79: {  	_ =	shalt  }
0x7a: {  	_ =	shalt  }
0x7b: {  	_ =	shalt  }
0x7c: {  	_ =	shalt  }
0x7d: {  	_ =	shalt  }
0x7e: {  	_ =	shalt  }
0x7f: {  	_ =	shalt  }
0x80: {  	_ =	shalt  }
0x81: {  	_ =	shalt  }
0x82: {  	_ =	shalt  }
0x83: {  	_ =	shalt  }
0x84: {  	_ =	shalt  }
0x85: {  	_ =	shalt  }
0x86: {  	_ =	shalt  }
0x87: {  	_ =	shalt  }
.Lfunc_end0:
.L_simem_size_0:
called_computation.2_lowered:
.L_overlay_start_0:
0x88: {  	s2 =	sld [smem:$0x3FD9]  }
0x89: {  	s3 =	sld [smem:$0x3FFE];
	_ =	sdelay $0x1  }
0x8a: {  	s1 =	srdreg.scid  }
0x8b: {  	s0 =	sand.u32 $0x1, s1  }
0x8c: {  	s17 =	sshll.u32 s0, $0xA;
	s2 =	sadd.s32 s3, s2  }
0x8d: {  	s2 =	sadd.s32 s2, s17  }
0x8e: {  	[smem:$0x3FC3] =	sst s2  }
0x8f: {  	_ = 	snop  }
0x90: {  	s18 =	sld [smem:$0x3FC8];
	(tm) =	ssettm $0x1  }
0x91: {  	s19 =	sld [smem:$0x3FFB];
	_ =	sdelay $0x3  }
0x92: {  	_ =	strace s19  }
0x93: {  	s2 =	sld [smem:$0x3FFC];
	_ =	sdelay $0x3  }
0x94: {  	_ =	strace s2  }
0x95: {  	s2 =	sld [smem:$0x3FFD];
	_ =	sdelay $0x3  }
0x96: {  	_ =	strace s2  }
0x97: {  	_ =	strace $0x8FFFFFFF  }
0x98: {  	s20 =	sld [smem:$0x3FDB];
	_ =	sdelay $0x1  }
0x99: {  	s4 =	simm.s32 $_scs_section_size  }
0x9a: {  	s5 =	simm.s32 $_size__tile_overlayer_lowered;
	s6 =	simm.s32 $_tile_overlayer_lowered  }
0x9b: {  	s7 =	simm.s32 $0x1BFF;
	s21 =	sshll.u32 s6, $0x1;
	s4 =	sadd.s32 s4, s20  }
0x9c: {  	s22 =	simm.s32 $0x0;
	s5 =	sshll.u32 s5, $0x1;
	s6 =	sadd.s32 s21, s4  }
0x9d: {  	[timem:s22], [sflag:s7] =	dma.local [hbm:s6], s5  }
0x9e: {  	_ =	swait.ge [sflag:s7], s5  }
0x9f: {  	s5 =	ssub.s32 $0x0, s5;
	[sflag:s7] =	ssyncset.done $0x0  }
0xa0: {  	[sflag:s7] =	ssyncadd.s32 s5;
	_ =	sdelay $0x1  }
0xa1: {  	s23 =	simm.s32 $0x1B8B  }
0xa2: {  	_ =	swait.ge [sflag:s23], $0x1  }
0xa3: {  	[sflag:s23] =	ssyncset.done $0x0  }
0xa4: {  	[sflag:s23] =	ssyncadd.s32 $0xFFFFFFFF  }
0xa5: {  	s5 =	sld [smem:$0x0]  }
0xa6: {  	s6 =	sand.u32 $0xFFFFFFFE, s1  }
0xa7: {  	p0 =	sne.s32 s1, s6  }
0xa8: {  	s6 =	sshll.u32 @p0 s6, $0xE  }
0xa9: {  	s6 =	sadd.s32 @p0 $0x11B8D, s6;
	s7 =	sshll.u32 @p0 s5, $0x11  }
0xaa: {  	s6 =	sor.u32 @p0 s7, s6  }
0xab: {  	[sflag:s6] =	ssyncadd.remote.s32 @p0 $0x1;
	_ =	sdelay $0x1  }
0xac: {  	s6 =	simm.s32 @p0 $0x1B8D  }
0xad: {  	_ =	swait.eq @p0 [sflag:s6], $0x1  }
0xae: {  	[sflag:s6] =	ssyncadd.s32 @p0 $0xFFFFFFFF  }
0xaf: {  	s7 =	sshll.u32 @!p0 s1, $0xE  }
0xb0: {  	s7 =	sor.u32 @!p0 $0x4000, s7;
	s6 =	simm.s32 @!p0 $0x1B8D  }
0xb1: {  	s5 =	sshll.u32 @!p0 s5, $0x11;
	s7 =	sadd.s32 @!p0 $0x11B8D, s7;
	_ =	swait.eq @!p0 [sflag:s6], $0x1  }
0xb2: {  	s5 =	sor.u32 @!p0 s5, s7;
	[sflag:s6] =	ssyncadd.s32 @!p0 $0xFFFFFFFF  }
0xb3: {  	s25 =	simm.s32 $0x1B8E;
	s24 =	sld [smem:$0x3FFE];
	[sflag:s5] =	ssyncadd.remote.s32 @!p0 $0x1  }
0xb4: {  	s26 =	simm.s32 $execute0_lowered;
	[smem:$0x3FD2] =	sst s25  }
0xb5: {  	s6 =	sshll.u32 s26, $0x1;
	_ =	strace $0x8000004C;
	[dreg:$0x1] =	wrdreg $0xFFFFFFFF  }
0xb6: {  	s28 =	simm.s32 $_size_execute0_lowered;
	s4 =	sadd.s32 s4, s6;
	[dreg:$0x0] =	wrdreg $0x0  }
0xb7: {  	s6 =	sshll.u32 s28, $0x1;
	[dreg:$0x2] =	wrdreg s4  }
0xb8: {  	[dreg:$0x3] =	wrdreg s6  }
0xb9: {  	[dreg:$0x4] =	wrdreg $0xC0  }
0xba: {  	_ =	task [dreg:s22], $0x5FFFF  }
0xbb: {  	[dreg:$0x1] =	wrdreg $0xFFFFFFFF  }
0xbc: {  	[dreg:$0x0] =	wrdreg $0x60  }
0xbd: {  	[dreg:$0x2] =	wrdreg s18  }
0xbe: {  	[dreg:$0x3] =	wrdreg s24  }
0xbf: {  	[dreg:$0x4] =	wrdreg $0xB  }
0xc0: {  	_ =	task.clear_ibuf [dreg:s22], $0x5FFFF;
	_ =	strace $0x9000004C  }
0xc1: {  	s29 =	simm.s32 $0xB;
	_ =	strace $0x8000004E  }
0xc2: {  	_ =	swait.ge [sflag:s29], $0x1  }
0xc3: {  	[sflag:s29] =	ssyncadd.s32 $0xFFFFFFFF  }
0xc4: {  	_ =	strace $0x9000004E  }
0xc5: {  	_ =	sfence  }
0xc6: {  	s30 =	sld [smem:$0x0];
	_ =	sdelay $0x2  }
0xc7: {  	s31 =	sshll.u32 s1, $0xD;
	s1 =	sshrl.u32 s1, $0x2  }
0xc8: {  	s4 =	sand.u32 $0x4000, s31;
	s1 =	sadd.s32 s1, s30  }
0xc9: {  	s0 =	sor.u32 s4, s0;
	s1 =	sshll.u32 s1, $0x11  }
0xca: {  	s0 =	sor.u32 s1, s0  }
0xcb: {  	s0 =	sadd.s32 $0x8F2B, s0  }
0xcc: {  	[sflag:s0] =	ssyncadd.remote.s32 $0x1  }
0xcd: {  	_ =	sfence.sel $0xFFFF  }
0xce: {  	[dreg:$0x0] =	wrdreg $0xFFFFFFFF;
	(pc) =	sbr.abs _section_cstart, $3  }
0xcf: {  	[dreg:$0x1] =	wrdreg $0xFFFFFFFF  }
0xd0: {  	_ =	task.clear_ibuf [dreg:s22], $0x2FFFF;
	_ =	strace $0x9FFFFFFF  }
0xd1: {  	(tm) =	ssettm $0x7FFFFFFF  }
tec
execute0_lowered:
.L_overlay_start_1:
0x0: {  	(tag) =	ssettag $0x1  }
0x1: {  	s2 =	rddreg [dreg:$0x0]  }
0x2: {  	s4 =	rddreg [dreg:$0x1];
	s3 =	simm.s32 $0x0  }
0x3: {  	s23 =	simm.s32 $0x880;
	[smem:$0x7FF] =	sst s3  }
0x4: {  	s24 =	simm.s32 $0x1080;
	_ =	strace $0x8000004D;
	[dreg:$0x6] =	wrdreg s23  }
0x5: {  	s25 =	simm.s32 $0x1880;
	[dreg:$0x7] =	wrdreg s24  }
0x6: {  	s0 =	stileid.u32;
	s26 =	simm.s32 $0x2080;
	[dreg:$0x8] =	wrdreg s25  }
0x7: {  	s5 =	sshll.u32 s0, $0x5;
	s0 =	simm.s32 $0x2880;
	[dreg:$0x9] =	wrdreg s26  }
0x8: {  	s8 =	simm.s32 $0x4880;
	[dreg:$0xa] =	wrdreg s0  }
0x9: {  	s9 =	simm.s32 $0x5080;
	[dreg:$0xe] =	wrdreg s8  }
0xa: {  	s10 =	simm.s32 $0x5880;
	[dreg:$0xf] =	wrdreg s9  }
0xb: {  	s11 =	simm.s32 $0x6080;
	[dreg:$0x10] =	wrdreg s10  }
0xc: {  	s12 =	simm.s32 $0x6880;
	[dreg:$0x11] =	wrdreg s11  }
0xd: {  	s13 =	simm.s32 $0x7080;
	[dreg:$0x12] =	wrdreg s12  }
0xe: {  	s14 =	simm.s32 $0x7880;
	[dreg:$0x13] =	wrdreg s13  }
0xf: {  	s1 =	srdreg.scid;
	s15 =	simm.s32 $0x8080;
	[dreg:$0x14] =	wrdreg s14  }
0x10: {  	s16 =	simm.s32 $0x8880;
	s17 =	simm.s32 $0x9080;
	[dreg:$0x15] =	wrdreg s15  }
0x11: {  	s18 =	simm.s32 $0x9880;
	s20 =	simm.s32 $0xA080;
	[dreg:$0x16] =	wrdreg s16  }
0x12: {  	s21 =	simm.s32 $0xA880;
	s22 =	simm.s32 $0xB080;
	[dreg:$0x17] =	wrdreg s17  }
0x13: {  	s28 =	simm.s32 $0x16880;
	s29 =	simm.s32 $0x17080;
	[dreg:$0x18] =	wrdreg s18  }
0x14: {  	s30 =	simm.s32 $0x17880;
	s1 =	sand.u32 $0x1, s1;
	[dreg:$0x19] =	wrdreg s20  }
0x15: {  	s31 =	simm.s32 $0x1;
	s6 =	sshll.u32 s1, $0x4;
	[dreg:$0x1a] =	wrdreg s21  }
0x16: {  	s1 =	ssub.s32 $0x2, s1;
	[dreg:$0x1b] =	wrdreg s22;
	s23 =	simm.s32 $0xB880  }
0x17: {  	s24 =	simm.s32 $0xC880;
	s25 =	simm.s32 $0xD080;
	s8 =	simm.s32 $0x80  }
0x18: {  	s26 =	simm.s32 $0xD880;
	s9 =	simm.s32 $0xC080;
	s11 =	simm.s32 $0xE880  }
0x19: {  	s12 =	simm.s32 $0xF080;
	s13 =	simm.s32 $0xF880;
	s14 =	simm.s32 $0x10080  }
0x1a: {  	s15 =	simm.s32 $0x10880;
	s16 =	simm.s32 $0x11080;
	s17 =	simm.s32 $0x11880  }
0x1b: {  	s18 =	simm.s32 $0x12080;
	s20 =	simm.s32 $0x13080;
	[dreg:$0x1c] =	wrdreg s23  }
0x1c: {  	s21 =	simm.s32 $0x13880;
	s22 =	simm.s32 $0x14080;
	[dreg:$0x1d] =	wrdreg s24  }
0x1d: {  	s5 =	sor.u32 s6, s5;
	s19 =	sshrl.u32 s1, $0x1;
	[dreg:$0x1e] =	wrdreg s25  }
0x1e: {  	[dreg:$0x1f] =	wrdreg s26;
	s23 =	simm.s32 $0x14880;
	s24 =	simm.s32 $0x15080  }
0x1f: {  	s25 =	simm.s32 $0x15880;
	s26 =	simm.s32 $0x16080;
	s6 =	smul.u32 $0x1800, s5  }
0x20: {  	s7 =	sadd.s32 s5, s4;
	s5 =	smul.u32 $0x300, s5;
	s4 =	sadd.s32 $0x62E00, s4  }
0x21: {  	s1 =	ssub.s32 s1, s19;
	s19 =	simm.s32 $0x12880;
	s7 =	sadd.s32 $0x2600, s7  }
0x22: {  	s6 =	sshrl.u32 s6, $0x3;
	[dreg:$0x3] =	wrdreg s7;
	s5 =	sadd.s32 s4, s5  }
0x23: {  	s7 =	simm.s32 $0x4080;
	s4 =	sadd.s32 s4, s6;
	[dreg:$0x4] =	wrdreg s5  }
0x24: {  	s5 =	simm.s32 $0x3080;
	s6 =	simm.s32 $0x3880;
	[dreg:$0xd] =	wrdreg s7  }
0x25: {  	v2 =	vlaneseq.u32;
	s7 =	simm.s32 $0x3;
	s4 =	sadd.s32 $0x1800, s4;
	[dreg:$0xb] =	wrdreg s5  }
0x26: {  	vm0 =	vmmov $0xffff;
	v1 =	vshrl.u32 v2, $0x3;
	[dreg:$0xc] =	wrdreg s6;
	s5 =	sadd.s32 $0x200, s2;
	s6 =	smax.u32 s1, $0x1  }
0x27: {  	v0 =	vand.u32 $0x7, v2;
	v2 =	vor.u32 $0x8, v2;
	v1 =	vmul.u32 $0x8, v1;
	s1 =	simm.s32 $0x2;
	[dreg:$0x5] =	wrdreg s4;
	s4 =	sadd.s32 $0x100, s2  }
.LBB2_1:
0x28: {  	s0 =	rddreg [dreg:$0x3]  }
0x29: {  	[tilespmem:s3], [sflag:$0x3] =	stream.linear.gather [hbm4b:s0+s3], $0x80, $0x38;
	[tilespmem:$0x18080] =	vst v63  }
0x2a: {  	_ =	swait.ge [sflag:s7], $0x80  }
0x2b: {  	[sflag:s7] =	ssyncset.done $0x0  }
0x2c: {  	[sflag:s7] =	ssyncadd.s32 $0xFFFFFF80  }
0x2d: {  	v3 =	vld [tilespmem:$0x0];
	_ =	sdelay $0x4  }
0x2e: {  	v4 =	vshrl.u32 v3, $0x3  }
0x2f: {  	v4 =	vmul.u32 $0x30, v4  }
0x30: {  	v3 =	vand.u32 $0x7, v3  }
0x31: {  	v3 =	vor.u32 v3, v4  }
0x32: {  	v4 =	vperm.xlane v3, v0;
	_ =	sdelay $0x1  }
0x33: {  	v4 =	vadd.s32 v1, v4;
	_ =	sdelay $0x3  }
0x34: {  	v3 =	vperm.xlane v3, v2  }
0x35: {  	[tilespmem:s8], [sflag:$0x1] =	stream.indirect_vreg.gather [hbm4b:s2+s3], $0x80, v4, vm0, $0xb8;
	[tilespmem:$0x18080] =	vst v63  }
0x36: {  	s0 =	rddreg [dreg:$0x6];
	v3 =	vadd.s32 v1, v3  }
0x37: {  	[tilespmem:s0], [sflag:$0x1] =	stream.indirect_vreg.gather [hbm4b:s4+s3], $0x80, v4, vm0, $0xb8;
	[tilespmem:$0x18080] =	vst v63  }
0x38: {  	s10 =	rddreg [dreg:$0x7]  }
0x39: {  	[tilespmem:s10], [sflag:$0x1] =	stream.indirect_vreg.gather [hbm4b:s5+s3], $0x80, v4, vm0, $0xb8;
	[tilespmem:$0x18080] =	vst v63  }
0x3a: {  	s0 =	rddreg [dreg:$0x8]  }
0x3b: {  	[tilespmem:s0], [sflag:$0x1] =	stream.indirect_vreg.gather [hbm4b:s2+s3], $0x80, v3, vm0, $0xb8;
	[tilespmem:$0x18080] =	vst v63  }
0x3c: {  	s10 =	rddreg [dreg:$0x9]  }
0x3d: {  	[tilespmem:s10], [sflag:$0x1] =	stream.indirect_vreg.gather [hbm4b:s4+s3], $0x80, v3, vm0, $0xb8;
	[tilespmem:$0x18080] =	vst v63  }
0x3e: {  	s0 =	rddreg [dreg:$0xa]  }
0x3f: {  	[tilespmem:s0], [sflag:$0x1] =	stream.indirect_vreg.gather [hbm4b:s5+s3], $0x80, v3, vm0, $0xb8;
	[tilespmem:$0x18080] =	vst v63  }
0x40: {  	v3 =	vld [tilespmem:$0x10];
	_ =	sdelay $0x4  }
0x41: {  	v57 =	vshrl.u32 v3, $0x3  }
0x42: {  	v4 =	vmul.u32 $0x30, v57  }
0x43: {  	v3 =	vand.u32 $0x7, v3  }
0x44: {  	v3 =	vor.u32 v3, v4  }
0x45: {  	v4 =	vperm.xlane v3, v0;
	_ =	sdelay $0x1  }
0x46: {  	v4 =	vadd.s32 v1, v4;
	_ =	sdelay $0x3  }
0x47: {  	s0 =	rddreg [dreg:$0xb];
	v3 =	vperm.xlane v3, v2  }
0x48: {  	[tilespmem:s0], [sflag:$0x1] =	stream.indirect_vreg.gather [hbm4b:s2+s3], $0x80, v4, vm0, $0xb8;
	[tilespmem:$0x18080] =	vst v63  }
0x49: {  	s10 =	rddreg [dreg:$0xc];
	v3 =	vadd.s32 v1, v3  }
0x4a: {  	[tilespmem:s10], [sflag:$0x1] =	stream.indirect_vreg.gather [hbm4b:s4+s3], $0x80, v4, vm0, $0xb8;
	[tilespmem:$0x18080] =	vst v63  }
0x4b: {  	s0 =	rddreg [dreg:$0xd]  }
0x4c: {  	[tilespmem:s0], [sflag:$0x1] =	stream.indirect_vreg.gather [hbm4b:s5+s3], $0x80, v4, vm0, $0xb8;
	[tilespmem:$0x18080] =	vst v63  }
0x4d: {  	s10 =	rddreg [dreg:$0xe]  }
0x4e: {  	[tilespmem:s10], [sflag:$0x1] =	stream.indirect_vreg.gather [hbm4b:s2+s3], $0x80, v3, vm0, $0xb8;
	[tilespmem:$0x18080] =	vst v63  }
0x4f: {  	s0 =	rddreg [dreg:$0xf]  }
0x50: {  	[tilespmem:s0], [sflag:$0x1] =	stream.indirect_vreg.gather [hbm4b:s4+s3], $0x80, v3, vm0, $0xb8;
	[tilespmem:$0x18080] =	vst v63  }
0x51: {  	s10 =	rddreg [dreg:$0x10]  }
0x52: {  	[tilespmem:s10], [sflag:$0x1] =	stream.indirect_vreg.gather [hbm4b:s5+s3], $0x80, v3, vm0, $0xb8;
	[tilespmem:$0x18080] =	vst v63  }
0x53: {  	v3 =	vld [tilespmem:$0x20];
	_ =	sdelay $0x4  }
0x54: {  	v58 =	vshrl.u32 v3, $0x3  }
0x55: {  	v4 =	vmul.u32 $0x30, v58  }
0x56: {  	v3 =	vand.u32 $0x7, v3  }
0x57: {  	v3 =	vor.u32 v3, v4  }
0x58: {  	v4 =	vperm.xlane v3, v0;
	_ =	sdelay $0x1  }
0x59: {  	v4 =	vadd.s32 v1, v4;
	_ =	sdelay $0x3  }
0x5a: {  	s0 =	rddreg [dreg:$0x11];
	v3 =	vperm.xlane v3, v2  }
0x5b: {  	[tilespmem:s0], [sflag:$0x1] =	stream.indirect_vreg.gather [hbm4b:s2+s3], $0x80, v4, vm0, $0xb8;
	[tilespmem:$0x18080] =	vst v63  }
0x5c: {  	s10 =	rddreg [dreg:$0x12];
	v3 =	vadd.s32 v1, v3  }
0x5d: {  	[tilespmem:s10], [sflag:$0x1] =	stream.indirect_vreg.gather [hbm4b:s4+s3], $0x80, v4, vm0, $0xb8;
	[tilespmem:$0x18080] =	vst v63  }
0x5e: {  	s0 =	rddreg [dreg:$0x13]  }
0x5f: {  	[tilespmem:s0], [sflag:$0x1] =	stream.indirect_vreg.gather [hbm4b:s5+s3], $0x80, v4, vm0, $0xb8;
	[tilespmem:$0x18080] =	vst v63  }
0x60: {  	s10 =	rddreg [dreg:$0x14]  }
0x61: {  	[tilespmem:s10], [sflag:$0x1] =	stream.indirect_vreg.gather [hbm4b:s2+s3], $0x80, v3, vm0, $0xb8;
	[tilespmem:$0x18080] =	vst v63  }
0x62: {  	s0 =	rddreg [dreg:$0x15]  }
0x63: {  	[tilespmem:s0], [sflag:$0x1] =	stream.indirect_vreg.gather [hbm4b:s4+s3], $0x80, v3, vm0, $0xb8;
	[tilespmem:$0x18080] =	vst v63  }
0x64: {  	s10 =	rddreg [dreg:$0x16]  }
0x65: {  	[tilespmem:s10], [sflag:$0x1] =	stream.indirect_vreg.gather [hbm4b:s5+s3], $0x80, v3, vm0, $0xb8;
	[tilespmem:$0x18080] =	vst v63  }
0x66: {  	v3 =	vld [tilespmem:$0x30];
	_ =	sdelay $0x4  }
0x67: {  	v59 =	vshrl.u32 v3, $0x3  }
0x68: {  	v4 =	vmul.u32 $0x30, v59  }
0x69: {  	v3 =	vand.u32 $0x7, v3  }
0x6a: {  	v3 =	vor.u32 v3, v4  }
0x6b: {  	v4 =	vperm.xlane v3, v0;
	_ =	sdelay $0x1  }
0x6c: {  	v4 =	vadd.s32 v1, v4;
	_ =	sdelay $0x3  }
0x6d: {  	s0 =	rddreg [dreg:$0x17];
	v3 =	vperm.xlane v3, v2  }
0x6e: {  	[tilespmem:s0], [sflag:$0x1] =	stream.indirect_vreg.gather [hbm4b:s2+s3], $0x80, v4, vm0, $0xb8;
	[tilespmem:$0x18080] =	vst v63  }
0x6f: {  	s10 =	rddreg [dreg:$0x18];
	v3 =	vadd.s32 v1, v3  }
0x70: {  	[tilespmem:s10], [sflag:$0x1] =	stream.indirect_vreg.gather [hbm4b:s4+s3], $0x80, v4, vm0, $0xb8;
	[tilespmem:$0x18080] =	vst v63  }
0x71: {  	s0 =	rddreg [dreg:$0x19]  }
0x72: {  	[tilespmem:s0], [sflag:$0x1] =	stream.indirect_vreg.gather [hbm4b:s5+s3], $0x80, v4, vm0, $0xb8;
	[tilespmem:$0x18080] =	vst v63  }
0x73: {  	s10 =	rddreg [dreg:$0x1a]  }
0x74: {  	[tilespmem:s10], [sflag:$0x1] =	stream.indirect_vreg.gather [hbm4b:s2+s3], $0x80, v3, vm0, $0xb8;
	[tilespmem:$0x18080] =	vst v63  }
0x75: {  	s0 =	rddreg [dreg:$0x1b]  }
0x76: {  	[tilespmem:s0], [sflag:$0x1] =	stream.indirect_vreg.gather [hbm4b:s4+s3], $0x80, v3, vm0, $0xb8;
	[tilespmem:$0x18080] =	vst v63  }
0x77: {  	s10 =	rddreg [dreg:$0x1c]  }
0x78: {  	[tilespmem:s10], [sflag:$0x1] =	stream.indirect_vreg.gather [hbm4b:s5+s3], $0x80, v3, vm0, $0xb8;
	[tilespmem:$0x18080] =	vst v63  }
0x79: {  	v3 =	vld [tilespmem:$0x40];
	_ =	sdelay $0x4  }
0x7a: {  	v60 =	vshrl.u32 v3, $0x3  }
0x7b: {  	v4 =	vmul.u32 $0x30, v60  }
0x7c: {  	v3 =	vand.u32 $0x7, v3  }
0x7d: {  	v3 =	vor.u32 v3, v4  }
0x7e: {  	v4 =	vperm.xlane v3, v0;
	_ =	sdelay $0x1  }
0x7f: {  	v4 =	vadd.s32 v1, v4;
	_ =	sdelay $0x3  }
0x80: {  	v3 =	vperm.xlane v3, v2  }
0x81: {  	[tilespmem:s9], [sflag:$0x2] =	stream.indirect_vreg.gather [hbm4b:s2+s3], $0x80, v4, vm0, $0xb8;
	[tilespmem:$0x18080] =	vst v63  }
0x82: {  	s0 =	rddreg [dreg:$0x1d];
	v3 =	vadd.s32 v1, v3  }
0x83: {  	[tilespmem:s0], [sflag:$0x2] =	stream.indirect_vreg.gather [hbm4b:s4+s3], $0x80, v4, vm0, $0xb8;
	[tilespmem:$0x18080] =	vst v63  }
0x84: {  	s10 =	rddreg [dreg:$0x1e]  }
0x85: {  	[tilespmem:s10], [sflag:$0x2] =	stream.indirect_vreg.gather [hbm4b:s5+s3], $0x80, v4, vm0, $0xb8;
	[tilespmem:$0x18080] =	vst v63  }
0x86: {  	s0 =	rddreg [dreg:$0x1f]  }
0x87: {  	[tilespmem:s0], [sflag:$0x2] =	stream.indirect_vreg.gather [hbm4b:s2+s3], $0x80, v3, vm0, $0xb8;
	[tilespmem:$0x18080] =	vst v63  }
0x88: {  	s10 =	simm.s32 $0xE080  }
0x89: {  	[tilespmem:s10], [sflag:$0x2] =	stream.indirect_vreg.gather [hbm4b:s4+s3], $0x80, v3, vm0, $0xb8;
	[tilespmem:$0x18080] =	vst v63  }
0x8a: {  	_ = 	snop  }
0x8b: {  	[tilespmem:s11], [sflag:$0x2] =	stream.indirect_vreg.gather [hbm4b:s5+s3], $0x80, v3, vm0, $0xb8;
	[tilespmem:$0x18080] =	vst v63  }
0x8c: {  	v3 =	vld [tilespmem:$0x50];
	_ =	sdelay $0x4  }
0x8d: {  	v61 =	vshrl.u32 v3, $0x3  }
0x8e: {  	v4 =	vmul.u32 $0x30, v61  }
0x8f: {  	v3 =	vand.u32 $0x7, v3  }
0x90: {  	v3 =	vor.u32 v3, v4  }
0x91: {  	v4 =	vperm.xlane v3, v0;
	_ =	sdelay $0x1  }
0x92: {  	v4 =	vadd.s32 v1, v4;
	_ =	sdelay $0x3  }
0x93: {  	v3 =	vperm.xlane v3, v2  }
0x94: {  	[tilespmem:s12], [sflag:$0x2] =	stream.indirect_vreg.gather [hbm4b:s2+s3], $0x80, v4, vm0, $0xb8;
	[tilespmem:$0x18080] =	vst v63  }
0x95: {  	v3 =	vadd.s32 v1, v3  }
0x96: {  	[tilespmem:s13], [sflag:$0x2] =	stream.indirect_vreg.gather [hbm4b:s4+s3], $0x80, v4, vm0, $0xb8;
	[tilespmem:$0x18080] =	vst v63  }
0x97: {  	_ = 	snop  }
0x98: {  	[tilespmem:s14], [sflag:$0x2] =	stream.indirect_vreg.gather [hbm4b:s5+s3], $0x80, v4, vm0, $0xb8;
	[tilespmem:$0x18080] =	vst v63  }
0x99: {  	_ = 	snop  }
0x9a: {  	[tilespmem:s15], [sflag:$0x2] =	stream.indirect_vreg.gather [hbm4b:s2+s3], $0x80, v3, vm0, $0xb8;
	[tilespmem:$0x18080] =	vst v63  }
0x9b: {  	_ = 	snop  }
0x9c: {  	[tilespmem:s16], [sflag:$0x2] =	stream.indirect_vreg.gather [hbm4b:s4+s3], $0x80, v3, vm0, $0xb8;
	[tilespmem:$0x18080] =	vst v63  }
0x9d: {  	_ = 	snop  }
0x9e: {  	[tilespmem:s17], [sflag:$0x2] =	stream.indirect_vreg.gather [hbm4b:s5+s3], $0x80, v3, vm0, $0xb8;
	[tilespmem:$0x18080] =	vst v63  }
0x9f: {  	v3 =	vld [tilespmem:$0x60];
	_ =	sdelay $0x4  }
0xa0: {  	v62 =	vshrl.u32 v3, $0x3  }
0xa1: {  	v4 =	vmul.u32 $0x30, v62  }
0xa2: {  	v3 =	vand.u32 $0x7, v3  }
0xa3: {  	v3 =	vor.u32 v3, v4  }
0xa4: {  	v4 =	vperm.xlane v3, v0;
	_ =	sdelay $0x1  }
0xa5: {  	v4 =	vadd.s32 v1, v4;
	_ =	sdelay $0x3  }
0xa6: {  	v3 =	vperm.xlane v3, v2  }
0xa7: {  	[tilespmem:s18], [sflag:$0x2] =	stream.indirect_vreg.gather [hbm4b:s2+s3], $0x80, v4, vm0, $0xb8;
	[tilespmem:$0x18080] =	vst v63  }
0xa8: {  	v3 =	vadd.s32 v1, v3  }
0xa9: {  	[tilespmem:s19], [sflag:$0x2] =	stream.indirect_vreg.gather [hbm4b:s4+s3], $0x80, v4, vm0, $0xb8;
	[tilespmem:$0x18080] =	vst v63  }
0xaa: {  	_ = 	snop  }
0xab: {  	[tilespmem:s20], [sflag:$0x2] =	stream.indirect_vreg.gather [hbm4b:s5+s3], $0x80, v4, vm0, $0xb8;
	[tilespmem:$0x18080] =	vst v63  }
0xac: {  	_ = 	snop  }
0xad: {  	[tilespmem:s21], [sflag:$0x2] =	stream.indirect_vreg.gather [hbm4b:s2+s3], $0x80, v3, vm0, $0xb8;
	[tilespmem:$0x18080] =	vst v63  }
0xae: {  	_ = 	snop  }
0xaf: {  	[tilespmem:s22], [sflag:$0x2] =	stream.indirect_vreg.gather [hbm4b:s4+s3], $0x80, v3, vm0, $0xb8;
	[tilespmem:$0x18080] =	vst v63  }
0xb0: {  	_ = 	snop  }
0xb1: {  	[tilespmem:s23], [sflag:$0x2] =	stream.indirect_vreg.gather [hbm4b:s5+s3], $0x80, v3, vm0, $0xb8;
	[tilespmem:$0x18080] =	vst v63  }
0xb2: {  	v3 =	vld [tilespmem:$0x70];
	_ =	sdelay $0x4  }
0xb3: {  	v63 =	vshrl.u32 v3, $0x3  }
0xb4: {  	v4 =	vmul.u32 $0x30, v63  }
0xb5: {  	v3 =	vand.u32 $0x7, v3  }
0xb6: {  	v3 =	vor.u32 v3, v4  }
0xb7: {  	v4 =	vperm.xlane v3, v0;
	_ =	sdelay $0x1  }
0xb8: {  	v4 =	vadd.s32 v1, v4;
	_ =	sdelay $0x3  }
0xb9: {  	v3 =	vperm.xlane v3, v2  }
0xba: {  	[tilespmem:s24], [sflag:$0x2] =	stream.indirect_vreg.gather [hbm4b:s2+s3], $0x80, v4, vm0, $0xb8;
	[tilespmem:$0x18080] =	vst v63  }
0xbb: {  	v3 =	vadd.s32 v1, v3  }
0xbc: {  	[tilespmem:s25], [sflag:$0x2] =	stream.indirect_vreg.gather [hbm4b:s4+s3], $0x80, v4, vm0, $0xb8;
	[tilespmem:$0x18080] =	vst v63  }
0xbd: {  	_ = 	snop  }
0xbe: {  	[tilespmem:s26], [sflag:$0x2] =	stream.indirect_vreg.gather [hbm4b:s5+s3], $0x80, v4, vm0, $0xb8;
	[tilespmem:$0x18080] =	vst v63  }
0xbf: {  	_ = 	snop  }
0xc0: {  	[tilespmem:s28], [sflag:$0x2] =	stream.indirect_vreg.gather [hbm4b:s2+s3], $0x80, v3, vm0, $0xb8;
	[tilespmem:$0x18080] =	vst v63  }
0xc1: {  	_ = 	snop  }
0xc2: {  	[tilespmem:s29], [sflag:$0x2] =	stream.indirect_vreg.gather [hbm4b:s4+s3], $0x80, v3, vm0, $0xb8;
	[tilespmem:$0x18080] =	vst v63  }
0xc3: {  	_ = 	snop  }
0xc4: {  	[tilespmem:s30], [sflag:$0x2] =	stream.indirect_vreg.gather [hbm4b:s5+s3], $0x80, v3, vm0, $0xb8;
	[tilespmem:$0x18080] =	vst v63  }
0xc5: {  	_ =	swait.ge [sflag:s31], $0xC000  }
0xc6: {  	[sflag:s31] =	ssyncset.done $0x0  }
0xc7: {  	s10 =	rddreg [dreg:$0x4];
	[sflag:s31] =	ssyncadd.s32 $0xFFFF4000  }
0xc8: {  	[hbm4b:s10+s3] =	stream.linear.scatter [tilespmem:s8], [sflag:$0x3], $0xC000, $0x38;
	[tilespmem:$0x18080] =	vst v63  }
0xc9: {  	_ =	swait.ge [sflag:s7], $0xC000  }
0xca: {  	[sflag:s7] =	ssyncset.done $0x0  }
0xcb: {  	[sflag:s7] =	ssyncadd.s32 $0xFFFF4000  }
0xcc: {  	_ =	swait.ge [sflag:s1], $0xC000  }
0xcd: {  	p0 =	sne.s32 s6, $0x1;
	[sflag:s1] =	ssyncset.done $0x0  }
.Ltmp0:
0xce: {  	s10 =	rddreg [dreg:$0x5];
	[sflag:s1] =	ssyncadd.s32 $0xFFFF4000;
	(pc) =	sbr.rel @p0 .LBB2_1-.Ltmp0, $4  }
0xcf: {  	[hbm4b:s10+s3] =	stream.linear.scatter [tilespmem:s9], [sflag:$0x3], $0xC000, $0x38;
	[tilespmem:$0x18080] =	vst v63  }
0xd0: {  	_ =	swait.ge [sflag:s7], $0xC000  }
0xd1: {  	[sflag:s7] =	ssyncset.done $0x0  }
0xd2: {  	s6 =	sadd.s32 $0xFFFFFFFF, s6;
	[sflag:s7] =	ssyncadd.s32 $0xFFFF4000  }
0xd3: {  	_ =	sfence.sel $0x180000  }
0xd4: {  	[bflag:$0x0] =	sbarrier.arrive $0xFFFF  }
0xd5: {  	_ =	strace $0x9000004D  }
0xd6: {  	s0 =	stileid.u32;
	[bflag:$0x2] =	sbarrier.arrive $0xFFFF  }
0xd7: {  	p0 =	sne.s32 s0, $0x0;
	s0 =	rddreg [dreg:$0x2]  }
0xd8: {  	s0 =	sadd.s32 @!p0 $0x100000, s0  }
0xd9: {  	[sflag:s0] =	ssyncadd.tile.s32 @!p0 $0x1;
	_ =	shalt  }
.Lfunc_end2:
_tile_overlayer_lowered:
.L_overlay_start_2:
0xda: {  	(tag) =	ssettag $0x2  }
0xdb: {  	s0 =	rddreg [dreg:$0x0];
	s2 =	stileid.u32  }
0xdc: {  	s1 =	rddreg [dreg:$0x1];
	p0 =	sne.s32 s2, $0x0  }
0xdd: {  	s3 =	rddreg [dreg:$0x2];
	[bflag:$0x3] =	sbarrier.arrive $0xFFFF;
	s2 =	simm.s32 @!p0 $0x1C03  }
0xde: {  	[timem:s3], [sflag:s2] =	dma.local @!p0 [hbm:s0], s1  }
0xdf: {  	s0 =	simm.s32 @!p0 $0x3  }
0xe0: {  	_ =	swait.ge @!p0 [sflag:s0], s1  }
0xe1: {  	s1 =	ssub.s32 @!p0 $0x0, s1;
	[sflag:s0] =	ssyncset.done @!p0 $0x0  }
0xe2: {  	[sflag:s0] =	ssyncadd.s32 @!p0 s1  }
0xe3: {  	[bflag:$0x3] =	sbarrier.arrive $0xFFFF  }
0xe4: {  	_ =	shalt  }

// kernel: kernel.19.cloned.1.call-start
scs
__scs_entry_jumppad:
0x0: {  	(pc) =	sbr.rel $0x88, $3  }
0x1: {  	(tag) =	ssettag $0x0;
	lr =	simm.s32 $0x1  }
0x2: {  	[smem:$0x3F9C] =	sst lr;
	_ =	strace $0xD0000000  }
0x3: {  	_ = 	snop  }
0x4: {  	_ = 	snop  }
0x5: {  	_ = 	snop  }
0x6: {  	_ = 	snop  }
0x7: {  	_ = 	snop  }
__scs_overlays_trampoline_lowered:
0x8: {  	[smem:$0x3FAB] =	sst s0  }
0x9: {  	[smem:$0x3FAC] =	sst s1  }
0xa: {  	[smem:$0x3FAD] =	sst s2  }
0xb: {  	[smem:$0x3FAE] =	sst s3  }
0xc: {  	[smem:$0x3FAF] =	sst s4  }
0xd: {  	[smem:$0x3FB0] =	sst s5  }
0xe: {  	[smem:$0x3FB1] =	sst s6  }
0xf: {  	[smem:$0x3FB2] =	sst s7  }
0x10: {  	[smem:$0x3FB3] =	sst s8  }
0x11: {  	[smem:$0x3FB4] =	sst s9;
	s0 =	simm.s32 @!p0 $0x0  }
0x12: {  	s1 =	sld [smem:$0x3F9A];
	s0 =	simm.s32 @p0 $0x1  }
0x13: {  	[smem:$0x3FB5] =	sst s0;
	s0 =	simm.s32 @!p1 $0x0  }
0x14: {  	s2 =	sld [smem:$0x3F99];
	s0 =	simm.s32 @p1 $0x1  }
0x15: {  	[smem:$0x3FB6] =	sst s0;
	s0 =	simm.s32 @!p2 $0x0  }
0x16: {  	s3 =	sld [smem:$0x3FDB];
	s0 =	simm.s32 @p2 $0x1  }
0x17: {  	s4 =	simm.s32 $0x1BF5;
	[smem:$0x3FB8] =	sst s0  }
0x18: {  	s0 =	sld [smem:$0x3F9B];
	_ =	swait.ge [sflag:s4], $0x0  }
0x19: {  	s7 =	sld [smem:$0x3F9C]  }
0x1a: {  	s8 =	sadd.s32 $0xFFFFE003, lr  }
0x1b: {  	s9 =	sadd.s32 $0xFFFFFEF7, lr;
	s5 =	simm.s32 $0xFFFFFFFF;
	p2 =	slt.u32 s8, $0xFFFFF086  }
0x1c: {  	p1 =	slt.u32 s9, $0xF7A;
	s5 =	simm.s32 @!p2 $0x0  }
0x1d: {  	s5 =	simm.s32 @p1 $0x1;
	p0 =	seq.s32 s7, s2  }
0x1e: {  	s7 =	smul.u32 @!p0 $0xF7A, s2;
	p2 =	seq.s32 @!p0 s5, $0x0  }
0x1f: {  	s9 =	smul.u32 $0xF7A, s1;
	s8 =	simm.s32 @!p0 $0x1BF5;
	p2 =	por !p2, p0  }
0x20: {  	[sflag:s8] =	ssyncset.s32 @!p0 $0xFFFFF086;
	s6 =	sadd.s32 @!p0 s3, s7;
	s7 =	simm.s32 @!p0 $0x108  }
0x21: {  	s3 =	sadd.s32 s3, s9;
	s6 =	sadd.s32 @!p0 $0x88, s6;
	s7 =	simm.s32 @p2 $0x1082  }
0x22: {  	[simem:s7], [sflag:s8] =	dma.local @!p0 [hbm:s6], $0xF7A  }
0x23: {  	s9 =	sor.u32 $0xD0000000, s2;
	s6 =	simm.s32 $0x108;
	_ =	swait.ge @!p0 [sflag:s8], $0x0  }
0x24: {  	s3 =	sadd.s32 $0x88, s3;
	s6 =	simm.s32 @!p1 $0x1082;
	[sflag:s4] =	ssyncset.s32 $0xFFFFF086  }
0x25: {  	[simem:s6], [sflag:s4] =	dma.local [hbm:s3], $0xF7A  }
0x26: {  	[smem:$0x3F9C] =	sst s1;
	(tag) =	ssettag s2;
	_ =	strace s9  }
0x27: {  	s1 =	sld [smem:$0x3FAC]  }
0x28: {  	s2 =	sld [smem:$0x3FAD]  }
0x29: {  	s4 =	sld [smem:$0x3FAF]  }
0x2a: {  	p0 =	seq.s32 s5, $0x0;
	s5 =	sld [smem:$0x3FB0]  }
0x2b: {  	s6 =	sld [smem:$0x3FB1]  }
0x2c: {  	s7 =	sld [smem:$0x3FB2]  }
0x2d: {  	s3 =	simm.s32 $0x108;
	s8 =	sld [smem:$0x3FB3]  }
0x2e: {  	s3 =	simm.s32 @!p0 $0x1082;
	s9 =	sld [smem:$0x3FB4]  }
0x2f: {  	lr =	sadd.s32 s0, s3;
	s0 =	sld [smem:$0x3FAB]  }
0x30: {  	s3 =	sld [smem:$0x3FAE]  }
0x31: {  	[smem:$0x3FB7] =	sst s10  }
0x32: {  	s10 =	sld [smem:$0x3FB5];
	_ =	sdelay $0x3  }
0x33: {  	p0 =	seq.s32 s10, $0x1;
	s10 =	sld [smem:$0x3FB7];
	_ =	sdelay $0x3  }
0x34: {  	[smem:$0x3FB7] =	sst s10  }
0x35: {  	s10 =	sld [smem:$0x3FB6];
	_ =	sdelay $0x3  }
0x36: {  	p1 =	seq.s32 s10, $0x1;
	s10 =	sld [smem:$0x3FB7];
	_ =	sdelay $0x3  }
0x37: {  	[smem:$0x3FB7] =	sst s10  }
0x38: {  	s10 =	sld [smem:$0x3FB8]  }
0x39: {  	_ = 	snop;
	(pc) =	sbr.ind lr, $3  }
0x3a: {  	_ = 	snop  }
0x3b: {  	_ = 	snop  }
0x3c: {  	p2 =	seq.s32 s10, $0x1;
	s10 =	sld [smem:$0x3FB7]  }
0x3d: {  	_ =	shalt  }
0x3e: {  	_ =	shalt  }
0x3f: {  	_ =	shalt  }
0x40: {  	_ =	shalt  }
0x41: {  	_ =	shalt  }
0x42: {  	_ =	shalt  }
0x43: {  	_ =	shalt  }
0x44: {  	_ =	shalt  }
0x45: {  	_ =	shalt  }
0x46: {  	_ =	shalt  }
0x47: {  	_ =	shalt  }
0x48: {  	_ =	shalt  }
0x49: {  	_ =	shalt  }
0x4a: {  	_ =	shalt  }
0x4b: {  	_ =	shalt  }
0x4c: {  	_ =	shalt  }
0x4d: {  	_ =	shalt  }
0x4e: {  	_ =	shalt  }
0x4f: {  	_ =	shalt  }
0x50: {  	_ =	shalt  }
0x51: {  	_ =	shalt  }
0x52: {  	_ =	shalt  }
0x53: {  	_ =	shalt  }
0x54: {  	_ =	shalt  }
0x55: {  	_ =	shalt  }
0x56: {  	_ =	shalt  }
0x57: {  	_ =	shalt  }
0x58: {  	_ =	shalt  }
0x59: {  	_ =	shalt  }
0x5a: {  	_ =	shalt  }
0x5b: {  	_ =	shalt  }
0x5c: {  	_ =	shalt  }
0x5d: {  	_ =	shalt  }
0x5e: {  	_ =	shalt  }
0x5f: {  	_ =	shalt  }
0x60: {  	_ =	shalt  }
0x61: {  	_ =	shalt  }
0x62: {  	_ =	shalt  }
0x63: {  	_ =	shalt  }
0x64: {  	_ =	shalt  }
0x65: {  	_ =	shalt  }
0x66: {  	_ =	shalt  }
0x67: {  	_ =	shalt  }
0x68: {  	_ =	shalt  }
0x69: {  	_ =	shalt  }
0x6a: {  	_ =	shalt  }
0x6b: {  	_ =	shalt  }
0x6c: {  	_ =	shalt  }
0x6d: {  	_ =	shalt  }
0x6e: {  	_ =	shalt  }
0x6f: {  	_ =	shalt  }
0x70: {  	_ =	shalt  }
0x71: {  	_ =	shalt  }
0x72: {  	_ =	shalt  }
0x73: {  	_ =	shalt  }
0x74: {  	_ =	shalt  }
0x75: {  	_ =	shalt  }
0x76: {  	_ =	shalt  }
0x77: {  	_ =	shalt  }
0x78: {  	_ =	shalt  }
0x79: {  	_ =	shalt  }
0x7a: {  	_ =	shalt  }
0x7b: {  	_ =	shalt  }
0x7c: {  	_ =	shalt  }
0x7d: {  	_ =	shalt  }
0x7e: {  	_ =	shalt  }
0x7f: {  	_ =	shalt  }
0x80: {  	_ =	shalt  }
0x81: {  	_ =	shalt  }
0x82: {  	_ =	shalt  }
0x83: {  	_ =	shalt  }
0x84: {  	_ =	shalt  }
0x85: {  	_ =	shalt  }
0x86: {  	_ =	shalt  }
0x87: {  	_ =	shalt  }
.Lfunc_end0:
.L_simem_size_0:
called_computation.3_lowered:
.L_overlay_start_0:
0x88: {  	s2 =	sld [smem:$0x3FD9]  }
0x89: {  	s3 =	sld [smem:$0x3FFE];
	_ =	sdelay $0x1  }
0x8a: {  	s1 =	srdreg.scid  }
0x8b: {  	s0 =	sand.u32 $0x1, s1  }
0x8c: {  	s17 =	sshll.u32 s0, $0xA;
	s2 =	sadd.s32 s3, s2  }
0x8d: {  	s2 =	sadd.s32 s2, s17  }
0x8e: {  	[smem:$0x3FC3] =	sst s2  }
0x8f: {  	_ = 	snop  }
0x90: {  	s18 =	sld [smem:$0x3FC8];
	(tm) =	ssettm $0x1  }
0x91: {  	s19 =	sld [smem:$0x3FFB];
	_ =	sdelay $0x3  }
0x92: {  	_ =	strace s19  }
0x93: {  	s2 =	sld [smem:$0x3FFC];
	_ =	sdelay $0x3  }
0x94: {  	_ =	strace s2  }
0x95: {  	s2 =	sld [smem:$0x3FFD];
	_ =	sdelay $0x3  }
0x96: {  	_ =	strace s2  }
0x97: {  	_ =	strace $0x8FFFFFFF  }
0x98: {  	s20 =	sld [smem:$0x3FDB];
	_ =	sdelay $0x1  }
0x99: {  	s4 =	simm.s32 $_scs_section_size  }
0x9a: {  	s5 =	simm.s32 $_size__tile_overlayer_lowered;
	s6 =	simm.s32 $_tile_overlayer_lowered  }
0x9b: {  	s7 =	simm.s32 $0x1BFF;
	s21 =	sshll.u32 s6, $0x1;
	s4 =	sadd.s32 s4, s20  }
0x9c: {  	s22 =	simm.s32 $0x0;
	s5 =	sshll.u32 s5, $0x1;
	s6 =	sadd.s32 s21, s4  }
0x9d: {  	[timem:s22], [sflag:s7] =	dma.local [hbm:s6], s5  }
0x9e: {  	_ =	swait.ge [sflag:s7], s5  }
0x9f: {  	s5 =	ssub.s32 $0x0, s5;
	[sflag:s7] =	ssyncset.done $0x0  }
0xa0: {  	[sflag:s7] =	ssyncadd.s32 s5;
	_ =	sdelay $0x1  }
0xa1: {  	s23 =	simm.s32 $0x1B8B  }
0xa2: {  	_ =	swait.ge [sflag:s23], $0x1  }
0xa3: {  	[sflag:s23] =	ssyncset.done $0x0  }
0xa4: {  	[sflag:s23] =	ssyncadd.s32 $0xFFFFFFFF  }
0xa5: {  	s5 =	sld [smem:$0x0]  }
0xa6: {  	s6 =	sand.u32 $0xFFFFFFFE, s1  }
0xa7: {  	p0 =	sne.s32 s1, s6  }
0xa8: {  	s6 =	sshll.u32 @p0 s6, $0xE  }
0xa9: {  	s6 =	sadd.s32 @p0 $0x11B8D, s6;
	s7 =	sshll.u32 @p0 s5, $0x11  }
0xaa: {  	s6 =	sor.u32 @p0 s7, s6  }
0xab: {  	[sflag:s6] =	ssyncadd.remote.s32 @p0 $0x1;
	_ =	sdelay $0x1  }
0xac: {  	s6 =	simm.s32 @p0 $0x1B8D  }
0xad: {  	_ =	swait.eq @p0 [sflag:s6], $0x1  }
0xae: {  	[sflag:s6] =	ssyncadd.s32 @p0 $0xFFFFFFFF  }
0xaf: {  	s7 =	sshll.u32 @!p0 s1, $0xE  }
0xb0: {  	s7 =	sor.u32 @!p0 $0x4000, s7;
	s6 =	simm.s32 @!p0 $0x1B8D  }
0xb1: {  	s5 =	sshll.u32 @!p0 s5, $0x11;
	s7 =	sadd.s32 @!p0 $0x11B8D, s7;
	_ =	swait.eq @!p0 [sflag:s6], $0x1  }
0xb2: {  	s5 =	sor.u32 @!p0 s5, s7;
	[sflag:s6] =	ssyncadd.s32 @!p0 $0xFFFFFFFF  }
0xb3: {  	s25 =	simm.s32 $0x1B8E;
	s24 =	sld [smem:$0x3FFE];
	[sflag:s5] =	ssyncadd.remote.s32 @!p0 $0x1  }
0xb4: {  	s26 =	simm.s32 $execute0_lowered;
	[smem:$0x3FD2] =	sst s25  }
0xb5: {  	s6 =	sshll.u32 s26, $0x1;
	_ =	strace $0x8000004F;
	[dreg:$0x1] =	wrdreg $0xFFFFFFFF  }
0xb6: {  	s28 =	simm.s32 $_size_execute0_lowered;
	s4 =	sadd.s32 s4, s6;
	[dreg:$0x0] =	wrdreg $0x0  }
0xb7: {  	s6 =	sshll.u32 s28, $0x1;
	[dreg:$0x2] =	wrdreg s4  }
0xb8: {  	[dreg:$0x3] =	wrdreg s6  }
0xb9: {  	[dreg:$0x4] =	wrdreg $0xC0  }
0xba: {  	_ =	task [dreg:s22], $0x5FFFF  }
0xbb: {  	[dreg:$0x1] =	wrdreg $0xFFFFFFFF  }
0xbc: {  	[dreg:$0x0] =	wrdreg $0x60  }
0xbd: {  	[dreg:$0x2] =	wrdreg s18  }
0xbe: {  	[dreg:$0x3] =	wrdreg s24  }
0xbf: {  	[dreg:$0x4] =	wrdreg $0xC  }
0xc0: {  	_ =	task.clear_ibuf [dreg:s22], $0x5FFFF;
	_ =	strace $0x9000004F  }
0xc1: {  	s29 =	simm.s32 $0xC;
	_ =	strace $0x80000051  }
0xc2: {  	_ =	swait.ge [sflag:s29], $0x1  }
0xc3: {  	[sflag:s29] =	ssyncadd.s32 $0xFFFFFFFF  }
0xc4: {  	_ =	strace $0x90000051  }
0xc5: {  	_ =	sfence  }
0xc6: {  	s30 =	sld [smem:$0x0];
	_ =	sdelay $0x2  }
0xc7: {  	s31 =	sshll.u32 s1, $0xD;
	s1 =	sshrl.u32 s1, $0x2  }
0xc8: {  	s4 =	sand.u32 $0x4000, s31;
	s1 =	sadd.s32 s1, s30  }
0xc9: {  	s0 =	sor.u32 s4, s0;
	s1 =	sshll.u32 s1, $0x11  }
0xca: {  	s0 =	sor.u32 s1, s0  }
0xcb: {  	s0 =	sadd.s32 $0x8F2B, s0  }
0xcc: {  	[sflag:s0] =	ssyncadd.remote.s32 $0x1  }
0xcd: {  	_ =	sfence.sel $0xFFFF  }
0xce: {  	[dreg:$0x0] =	wrdreg $0xFFFFFFFF;
	(pc) =	sbr.abs _section_cstart, $3  }
0xcf: {  	[dreg:$0x1] =	wrdreg $0xFFFFFFFF  }
0xd0: {  	_ =	task.clear_ibuf [dreg:s22], $0x2FFFF;
	_ =	strace $0x9FFFFFFF  }
0xd1: {  	(tm) =	ssettm $0x7FFFFFFF  }
tec
execute0_lowered:
.L_overlay_start_1:
0x0: {  	(tag) =	ssettag $0x1  }
0x1: {  	s2 =	rddreg [dreg:$0x0]  }
0x2: {  	s4 =	rddreg [dreg:$0x1];
	s3 =	simm.s32 $0x0  }
0x3: {  	s23 =	simm.s32 $0x880;
	[smem:$0x7FF] =	sst s3  }
0x4: {  	s24 =	simm.s32 $0x1080;
	_ =	strace $0x80000050;
	[dreg:$0x6] =	wrdreg s23  }
0x5: {  	s25 =	simm.s32 $0x1880;
	[dreg:$0x7] =	wrdreg s24  }
0x6: {  	s0 =	stileid.u32;
	s26 =	simm.s32 $0x2080;
	[dreg:$0x8] =	wrdreg s25  }
0x7: {  	s5 =	sshll.u32 s0, $0x5;
	s0 =	simm.s32 $0x2880;
	[dreg:$0x9] =	wrdreg s26  }
0x8: {  	s8 =	simm.s32 $0x4880;
	[dreg:$0xa] =	wrdreg s0  }
0x9: {  	s9 =	simm.s32 $0x5080;
	[dreg:$0xe] =	wrdreg s8  }
0xa: {  	s10 =	simm.s32 $0x5880;
	[dreg:$0xf] =	wrdreg s9  }
0xb: {  	s11 =	simm.s32 $0x6080;
	[dreg:$0x10] =	wrdreg s10  }
0xc: {  	s12 =	simm.s32 $0x6880;
	[dreg:$0x11] =	wrdreg s11  }
0xd: {  	s13 =	simm.s32 $0x7080;
	[dreg:$0x12] =	wrdreg s12  }
0xe: {  	s14 =	simm.s32 $0x7880;
	[dreg:$0x13] =	wrdreg s13  }
0xf: {  	s1 =	srdreg.scid;
	s15 =	simm.s32 $0x8080;
	[dreg:$0x14] =	wrdreg s14  }
0x10: {  	s16 =	simm.s32 $0x8880;
	s17 =	simm.s32 $0x9080;
	[dreg:$0x15] =	wrdreg s15  }
0x11: {  	s18 =	simm.s32 $0x9880;
	s20 =	simm.s32 $0xA080;
	[dreg:$0x16] =	wrdreg s16  }
0x12: {  	s21 =	simm.s32 $0xA880;
	s22 =	simm.s32 $0xB080;
	[dreg:$0x17] =	wrdreg s17  }
0x13: {  	s28 =	simm.s32 $0x16880;
	s29 =	simm.s32 $0x17080;
	[dreg:$0x18] =	wrdreg s18  }
0x14: {  	s30 =	simm.s32 $0x17880;
	s1 =	sand.u32 $0x1, s1;
	[dreg:$0x19] =	wrdreg s20  }
0x15: {  	s31 =	simm.s32 $0x1;
	s6 =	sshll.u32 s1, $0x4;
	[dreg:$0x1a] =	wrdreg s21  }
0x16: {  	s1 =	ssub.s32 $0x2, s1;
	[dreg:$0x1b] =	wrdreg s22;
	s23 =	simm.s32 $0xB880  }
0x17: {  	s24 =	simm.s32 $0xC880;
	s25 =	simm.s32 $0xD080;
	s8 =	simm.s32 $0x80  }
0x18: {  	s26 =	simm.s32 $0xD880;
	s9 =	simm.s32 $0xC080;
	s11 =	simm.s32 $0xE880  }
0x19: {  	s12 =	simm.s32 $0xF080;
	s13 =	simm.s32 $0xF880;
	s14 =	simm.s32 $0x10080  }
0x1a: {  	s15 =	simm.s32 $0x10880;
	s16 =	simm.s32 $0x11080;
	s17 =	simm.s32 $0x11880  }
0x1b: {  	s18 =	simm.s32 $0x12080;
	s20 =	simm.s32 $0x13080;
	[dreg:$0x1c] =	wrdreg s23  }
0x1c: {  	s21 =	simm.s32 $0x13880;
	s22 =	simm.s32 $0x14080;
	[dreg:$0x1d] =	wrdreg s24  }
0x1d: {  	s5 =	sor.u32 s6, s5;
	s19 =	sshrl.u32 s1, $0x1;
	[dreg:$0x1e] =	wrdreg s25  }
0x1e: {  	[dreg:$0x1f] =	wrdreg s26;
	s23 =	simm.s32 $0x14880;
	s24 =	simm.s32 $0x15080  }
0x1f: {  	s25 =	simm.s32 $0x15880;
	s26 =	simm.s32 $0x16080;
	s6 =	smul.u32 $0x1800, s5  }
0x20: {  	s7 =	sadd.s32 s5, s4;
	s5 =	smul.u32 $0x300, s5;
	s4 =	sadd.s32 $0xC2E00, s4  }
0x21: {  	s1 =	ssub.s32 s1, s19;
	s19 =	simm.s32 $0x12880;
	s7 =	sadd.s32 $0x2800, s7  }
0x22: {  	s6 =	sshrl.u32 s6, $0x3;
	[dreg:$0x3] =	wrdreg s7;
	s5 =	sadd.s32 s4, s5  }
0x23: {  	s7 =	simm.s32 $0x4080;
	s4 =	sadd.s32 s4, s6;
	[dreg:$0x4] =	wrdreg s5  }
0x24: {  	s5 =	simm.s32 $0x3080;
	s6 =	simm.s32 $0x3880;
	[dreg:$0xd] =	wrdreg s7  }
0x25: {  	v2 =	vlaneseq.u32;
	s7 =	simm.s32 $0x3;
	s4 =	sadd.s32 $0x1800, s4;
	[dreg:$0xb] =	wrdreg s5  }
0x26: {  	vm0 =	vmmov $0xffff;
	v1 =	vshrl.u32 v2, $0x3;
	[dreg:$0xc] =	wrdreg s6;
	s5 =	sadd.s32 $0x200, s2;
	s6 =	smax.u32 s1, $0x1  }
0x27: {  	v0 =	vand.u32 $0x7, v2;
	v2 =	vor.u32 $0x8, v2;
	v1 =	vmul.u32 $0x8, v1;
	s1 =	simm.s32 $0x2;
	[dreg:$0x5] =	wrdreg s4;
	s4 =	sadd.s32 $0x100, s2  }
.LBB2_1:
0x28: {  	s0 =	rddreg [dreg:$0x3]  }
0x29: {  	[tilespmem:s3], [sflag:$0x3] =	stream.linear.gather [hbm4b:s0+s3], $0x80, $0x38;
	[tilespmem:$0x18080] =	vst v63  }
0x2a: {  	_ =	swait.ge [sflag:s7], $0x80  }
0x2b: {  	[sflag:s7] =	ssyncset.done $0x0  }
0x2c: {  	[sflag:s7] =	ssyncadd.s32 $0xFFFFFF80  }
0x2d: {  	v3 =	vld [tilespmem:$0x0];
	_ =	sdelay $0x4  }
0x2e: {  	v4 =	vshrl.u32 v3, $0x3  }
0x2f: {  	v4 =	vmul.u32 $0x30, v4  }
0x30: {  	v3 =	vand.u32 $0x7, v3  }
0x31: {  	v3 =	vor.u32 v3, v4  }
0x32: {  	v4 =	vperm.xlane v3, v0;
	_ =	sdelay $0x1  }
0x33: {  	v4 =	vadd.s32 v1, v4;
	_ =	sdelay $0x3  }
0x34: {  	v3 =	vperm.xlane v3, v2  }
0x35: {  	[tilespmem:s8], [sflag:$0x1] =	stream.indirect_vreg.gather [hbm4b:s2+s3], $0x80, v4, vm0, $0xb8;
	[tilespmem:$0x18080] =	vst v63  }
0x36: {  	s0 =	rddreg [dreg:$0x6];
	v3 =	vadd.s32 v1, v3  }
0x37: {  	[tilespmem:s0], [sflag:$0x1] =	stream.indirect_vreg.gather [hbm4b:s4+s3], $0x80, v4, vm0, $0xb8;
	[tilespmem:$0x18080] =	vst v63  }
0x38: {  	s10 =	rddreg [dreg:$0x7]  }
0x39: {  	[tilespmem:s10], [sflag:$0x1] =	stream.indirect_vreg.gather [hbm4b:s5+s3], $0x80, v4, vm0, $0xb8;
	[tilespmem:$0x18080] =	vst v63  }
0x3a: {  	s0 =	rddreg [dreg:$0x8]  }
0x3b: {  	[tilespmem:s0], [sflag:$0x1] =	stream.indirect_vreg.gather [hbm4b:s2+s3], $0x80, v3, vm0, $0xb8;
	[tilespmem:$0x18080] =	vst v63  }
0x3c: {  	s10 =	rddreg [dreg:$0x9]  }
0x3d: {  	[tilespmem:s10], [sflag:$0x1] =	stream.indirect_vreg.gather [hbm4b:s4+s3], $0x80, v3, vm0, $0xb8;
	[tilespmem:$0x18080] =	vst v63  }
0x3e: {  	s0 =	rddreg [dreg:$0xa]  }
0x3f: {  	[tilespmem:s0], [sflag:$0x1] =	stream.indirect_vreg.gather [hbm4b:s5+s3], $0x80, v3, vm0, $0xb8;
	[tilespmem:$0x18080] =	vst v63  }
0x40: {  	v3 =	vld [tilespmem:$0x10];
	_ =	sdelay $0x4  }
0x41: {  	v57 =	vshrl.u32 v3, $0x3  }
0x42: {  	v4 =	vmul.u32 $0x30, v57  }
0x43: {  	v3 =	vand.u32 $0x7, v3  }
0x44: {  	v3 =	vor.u32 v3, v4  }
0x45: {  	v4 =	vperm.xlane v3, v0;
	_ =	sdelay $0x1  }
0x46: {  	v4 =	vadd.s32 v1, v4;
	_ =	sdelay $0x3  }
0x47: {  	s0 =	rddreg [dreg:$0xb];
	v3 =	vperm.xlane v3, v2  }
0x48: {  	[tilespmem:s0], [sflag:$0x1] =	stream.indirect_vreg.gather [hbm4b:s2+s3], $0x80, v4, vm0, $0xb8;
	[tilespmem:$0x18080] =	vst v63  }
0x49: {  	s10 =	rddreg [dreg:$0xc];
	v3 =	vadd.s32 v1, v3  }
0x4a: {  	[tilespmem:s10], [sflag:$0x1] =	stream.indirect_vreg.gather [hbm4b:s4+s3], $0x80, v4, vm0, $0xb8;
	[tilespmem:$0x18080] =	vst v63  }
0x4b: {  	s0 =	rddreg [dreg:$0xd]  }
0x4c: {  	[tilespmem:s0], [sflag:$0x1] =	stream.indirect_vreg.gather [hbm4b:s5+s3], $0x80, v4, vm0, $0xb8;
	[tilespmem:$0x18080] =	vst v63  }
0x4d: {  	s10 =	rddreg [dreg:$0xe]  }
0x4e: {  	[tilespmem:s10], [sflag:$0x1] =	stream.indirect_vreg.gather [hbm4b:s2+s3], $0x80, v3, vm0, $0xb8;
	[tilespmem:$0x18080] =	vst v63  }
0x4f: {  	s0 =	rddreg [dreg:$0xf]  }
0x50: {  	[tilespmem:s0], [sflag:$0x1] =	stream.indirect_vreg.gather [hbm4b:s4+s3], $0x80, v3, vm0, $0xb8;
	[tilespmem:$0x18080] =	vst v63  }
0x51: {  	s10 =	rddreg [dreg:$0x10]  }
0x52: {  	[tilespmem:s10], [sflag:$0x1] =	stream.indirect_vreg.gather [hbm4b:s5+s3], $0x80, v3, vm0, $0xb8;
	[tilespmem:$0x18080] =	vst v63  }
0x53: {  	v3 =	vld [tilespmem:$0x20];
	_ =	sdelay $0x4  }
0x54: {  	v58 =	vshrl.u32 v3, $0x3  }
0x55: {  	v4 =	vmul.u32 $0x30, v58  }
0x56: {  	v3 =	vand.u32 $0x7, v3  }
0x57: {  	v3 =	vor.u32 v3, v4  }
0x58: {  	v4 =	vperm.xlane v3, v0;
	_ =	sdelay $0x1  }
0x59: {  	v4 =	vadd.s32 v1, v4;
	_ =	sdelay $0x3  }
0x5a: {  	s0 =	rddreg [dreg:$0x11];
	v3 =	vperm.xlane v3, v2  }
0x5b: {  	[tilespmem:s0], [sflag:$0x1] =	stream.indirect_vreg.gather [hbm4b:s2+s3], $0x80, v4, vm0, $0xb8;
	[tilespmem:$0x18080] =	vst v63  }
0x5c: {  	s10 =	rddreg [dreg:$0x12];
	v3 =	vadd.s32 v1, v3  }
0x5d: {  	[tilespmem:s10], [sflag:$0x1] =	stream.indirect_vreg.gather [hbm4b:s4+s3], $0x80, v4, vm0, $0xb8;
	[tilespmem:$0x18080] =	vst v63  }
0x5e: {  	s0 =	rddreg [dreg:$0x13]  }
0x5f: {  	[tilespmem:s0], [sflag:$0x1] =	stream.indirect_vreg.gather [hbm4b:s5+s3], $0x80, v4, vm0, $0xb8;
	[tilespmem:$0x18080] =	vst v63  }
0x60: {  	s10 =	rddreg [dreg:$0x14]  }
0x61: {  	[tilespmem:s10], [sflag:$0x1] =	stream.indirect_vreg.gather [hbm4b:s2+s3], $0x80, v3, vm0, $0xb8;
	[tilespmem:$0x18080] =	vst v63  }
0x62: {  	s0 =	rddreg [dreg:$0x15]  }
0x63: {  	[tilespmem:s0], [sflag:$0x1] =	stream.indirect_vreg.gather [hbm4b:s4+s3], $0x80, v3, vm0, $0xb8;
	[tilespmem:$0x18080] =	vst v63  }
0x64: {  	s10 =	rddreg [dreg:$0x16]  }
0x65: {  	[tilespmem:s10], [sflag:$0x1] =	stream.indirect_vreg.gather [hbm4b:s5+s3], $0x80, v3, vm0, $0xb8;
	[tilespmem:$0x18080] =	vst v63  }
0x66: {  	v3 =	vld [tilespmem:$0x30];
	_ =	sdelay $0x4  }
0x67: {  	v59 =	vshrl.u32 v3, $0x3  }
0x68: {  	v4 =	vmul.u32 $0x30, v59  }
0x69: {  	v3 =	vand.u32 $0x7, v3  }
0x6a: {  	v3 =	vor.u32 v3, v4  }
0x6b: {  	v4 =	vperm.xlane v3, v0;
	_ =	sdelay $0x1  }
0x6c: {  	v4 =	vadd.s32 v1, v4;
	_ =	sdelay $0x3  }
0x6d: {  	s0 =	rddreg [dreg:$0x17];
	v3 =	vperm.xlane v3, v2  }
0x6e: {  	[tilespmem:s0], [sflag:$0x1] =	stream.indirect_vreg.gather [hbm4b:s2+s3], $0x80, v4, vm0, $0xb8;
	[tilespmem:$0x18080] =	vst v63  }
0x6f: {  	s10 =	rddreg [dreg:$0x18];
	v3 =	vadd.s32 v1, v3  }
0x70: {  	[tilespmem:s10], [sflag:$0x1] =	stream.indirect_vreg.gather [hbm4b:s4+s3], $0x80, v4, vm0, $0xb8;
	[tilespmem:$0x18080] =	vst v63  }
0x71: {  	s0 =	rddreg [dreg:$0x19]  }
0x72: {  	[tilespmem:s0], [sflag:$0x1] =	stream.indirect_vreg.gather [hbm4b:s5+s3], $0x80, v4, vm0, $0xb8;
	[tilespmem:$0x18080] =	vst v63  }
0x73: {  	s10 =	rddreg [dreg:$0x1a]  }
0x74: {  	[tilespmem:s10], [sflag:$0x1] =	stream.indirect_vreg.gather [hbm4b:s2+s3], $0x80, v3, vm0, $0xb8;
	[tilespmem:$0x18080] =	vst v63  }
0x75: {  	s0 =	rddreg [dreg:$0x1b]  }
0x76: {  	[tilespmem:s0], [sflag:$0x1] =	stream.indirect_vreg.gather [hbm4b:s4+s3], $0x80, v3, vm0, $0xb8;
	[tilespmem:$0x18080] =	vst v63  }
0x77: {  	s10 =	rddreg [dreg:$0x1c]  }
0x78: {  	[tilespmem:s10], [sflag:$0x1] =	stream.indirect_vreg.gather [hbm4b:s5+s3], $0x80, v3, vm0, $0xb8;
	[tilespmem:$0x18080] =	vst v63  }
0x79: {  	v3 =	vld [tilespmem:$0x40];
	_ =	sdelay $0x4  }
0x7a: {  	v60 =	vshrl.u32 v3, $0x3  }
0x7b: {  	v4 =	vmul.u32 $0x30, v60  }
0x7c: {  	v3 =	vand.u32 $0x7, v3  }
0x7d: {  	v3 =	vor.u32 v3, v4  }
0x7e: {  	v4 =	vperm.xlane v3, v0;
	_ =	sdelay $0x1  }
0x7f: {  	v4 =	vadd.s32 v1, v4;
	_ =	sdelay $0x3  }
0x80: {  	v3 =	vperm.xlane v3, v2  }
0x81: {  	[tilespmem:s9], [sflag:$0x2] =	stream.indirect_vreg.gather [hbm4b:s2+s3], $0x80, v4, vm0, $0xb8;
	[tilespmem:$0x18080] =	vst v63  }
0x82: {  	s0 =	rddreg [dreg:$0x1d];
	v3 =	vadd.s32 v1, v3  }
0x83: {  	[tilespmem:s0], [sflag:$0x2] =	stream.indirect_vreg.gather [hbm4b:s4+s3], $0x80, v4, vm0, $0xb8;
	[tilespmem:$0x18080] =	vst v63  }
0x84: {  	s10 =	rddreg [dreg:$0x1e]  }
0x85: {  	[tilespmem:s10], [sflag:$0x2] =	stream.indirect_vreg.gather [hbm4b:s5+s3], $0x80, v4, vm0, $0xb8;
	[tilespmem:$0x18080] =	vst v63  }
0x86: {  	s0 =	rddreg [dreg:$0x1f]  }
0x87: {  	[tilespmem:s0], [sflag:$0x2] =	stream.indirect_vreg.gather [hbm4b:s2+s3], $0x80, v3, vm0, $0xb8;
	[tilespmem:$0x18080] =	vst v63  }
0x88: {  	s10 =	simm.s32 $0xE080  }
0x89: {  	[tilespmem:s10], [sflag:$0x2] =	stream.indirect_vreg.gather [hbm4b:s4+s3], $0x80, v3, vm0, $0xb8;
	[tilespmem:$0x18080] =	vst v63  }
0x8a: {  	_ = 	snop  }
0x8b: {  	[tilespmem:s11], [sflag:$0x2] =	stream.indirect_vreg.gather [hbm4b:s5+s3], $0x80, v3, vm0, $0xb8;
	[tilespmem:$0x18080] =	vst v63  }
0x8c: {  	v3 =	vld [tilespmem:$0x50];
	_ =	sdelay $0x4  }
0x8d: {  	v61 =	vshrl.u32 v3, $0x3  }
0x8e: {  	v4 =	vmul.u32 $0x30, v61  }
0x8f: {  	v3 =	vand.u32 $0x7, v3  }
0x90: {  	v3 =	vor.u32 v3, v4  }
0x91: {  	v4 =	vperm.xlane v3, v0;
	_ =	sdelay $0x1  }
0x92: {  	v4 =	vadd.s32 v1, v4;
	_ =	sdelay $0x3  }
0x93: {  	v3 =	vperm.xlane v3, v2  }
0x94: {  	[tilespmem:s12], [sflag:$0x2] =	stream.indirect_vreg.gather [hbm4b:s2+s3], $0x80, v4, vm0, $0xb8;
	[tilespmem:$0x18080] =	vst v63  }
0x95: {  	v3 =	vadd.s32 v1, v3  }
0x96: {  	[tilespmem:s13], [sflag:$0x2] =	stream.indirect_vreg.gather [hbm4b:s4+s3], $0x80, v4, vm0, $0xb8;
	[tilespmem:$0x18080] =	vst v63  }
0x97: {  	_ = 	snop  }
0x98: {  	[tilespmem:s14], [sflag:$0x2] =	stream.indirect_vreg.gather [hbm4b:s5+s3], $0x80, v4, vm0, $0xb8;
	[tilespmem:$0x18080] =	vst v63  }
0x99: {  	_ = 	snop  }
0x9a: {  	[tilespmem:s15], [sflag:$0x2] =	stream.indirect_vreg.gather [hbm4b:s2+s3], $0x80, v3, vm0, $0xb8;
	[tilespmem:$0x18080] =	vst v63  }
0x9b: {  	_ = 	snop  }
0x9c: {  	[tilespmem:s16], [sflag:$0x2] =	stream.indirect_vreg.gather [hbm4b:s4+s3], $0x80, v3, vm0, $0xb8;
	[tilespmem:$0x18080] =	vst v63  }
0x9d: {  	_ = 	snop  }
0x9e: {  	[tilespmem:s17], [sflag:$0x2] =	stream.indirect_vreg.gather [hbm4b:s5+s3], $0x80, v3, vm0, $0xb8;
	[tilespmem:$0x18080] =	vst v63  }
0x9f: {  	v3 =	vld [tilespmem:$0x60];
	_ =	sdelay $0x4  }
0xa0: {  	v62 =	vshrl.u32 v3, $0x3  }
0xa1: {  	v4 =	vmul.u32 $0x30, v62  }
0xa2: {  	v3 =	vand.u32 $0x7, v3  }
0xa3: {  	v3 =	vor.u32 v3, v4  }
0xa4: {  	v4 =	vperm.xlane v3, v0;
	_ =	sdelay $0x1  }
0xa5: {  	v4 =	vadd.s32 v1, v4;
	_ =	sdelay $0x3  }
0xa6: {  	v3 =	vperm.xlane v3, v2  }
0xa7: {  	[tilespmem:s18], [sflag:$0x2] =	stream.indirect_vreg.gather [hbm4b:s2+s3], $0x80, v4, vm0, $0xb8;
	[tilespmem:$0x18080] =	vst v63  }
0xa8: {  	v3 =	vadd.s32 v1, v3  }
0xa9: {  	[tilespmem:s19], [sflag:$0x2] =	stream.indirect_vreg.gather [hbm4b:s4+s3], $0x80, v4, vm0, $0xb8;
	[tilespmem:$0x18080] =	vst v63  }
0xaa: {  	_ = 	snop  }
0xab: {  	[tilespmem:s20], [sflag:$0x2] =	stream.indirect_vreg.gather [hbm4b:s5+s3], $0x80, v4, vm0, $0xb8;
	[tilespmem:$0x18080] =	vst v63  }
0xac: {  	_ = 	snop  }
0xad: {  	[tilespmem:s21], [sflag:$0x2] =	stream.indirect_vreg.gather [hbm4b:s2+s3], $0x80, v3, vm0, $0xb8;
	[tilespmem:$0x18080] =	vst v63  }
0xae: {  	_ = 	snop  }
0xaf: {  	[tilespmem:s22], [sflag:$0x2] =	stream.indirect_vreg.gather [hbm4b:s4+s3], $0x80, v3, vm0, $0xb8;
	[tilespmem:$0x18080] =	vst v63  }
0xb0: {  	_ = 	snop  }
0xb1: {  	[tilespmem:s23], [sflag:$0x2] =	stream.indirect_vreg.gather [hbm4b:s5+s3], $0x80, v3, vm0, $0xb8;
	[tilespmem:$0x18080] =	vst v63  }
0xb2: {  	v3 =	vld [tilespmem:$0x70];
	_ =	sdelay $0x4  }
0xb3: {  	v63 =	vshrl.u32 v3, $0x3  }
0xb4: {  	v4 =	vmul.u32 $0x30, v63  }
0xb5: {  	v3 =	vand.u32 $0x7, v3  }
0xb6: {  	v3 =	vor.u32 v3, v4  }
0xb7: {  	v4 =	vperm.xlane v3, v0;
	_ =	sdelay $0x1  }
0xb8: {  	v4 =	vadd.s32 v1, v4;
	_ =	sdelay $0x3  }
0xb9: {  	v3 =	vperm.xlane v3, v2  }
0xba: {  	[tilespmem:s24], [sflag:$0x2] =	stream.indirect_vreg.gather [hbm4b:s2+s3], $0x80, v4, vm0, $0xb8;
	[tilespmem:$0x18080] =	vst v63  }
0xbb: {  	v3 =	vadd.s32 v1, v3  }
0xbc: {  	[tilespmem:s25], [sflag:$0x2] =	stream.indirect_vreg.gather [hbm4b:s4+s3], $0x80, v4, vm0, $0xb8;
	[tilespmem:$0x18080] =	vst v63  }
0xbd: {  	_ = 	snop  }
0xbe: {  	[tilespmem:s26], [sflag:$0x2] =	stream.indirect_vreg.gather [hbm4b:s5+s3], $0x80, v4, vm0, $0xb8;
	[tilespmem:$0x18080] =	vst v63  }
0xbf: {  	_ = 	snop  }
0xc0: {  	[tilespmem:s28], [sflag:$0x2] =	stream.indirect_vreg.gather [hbm4b:s2+s3], $0x80, v3, vm0, $0xb8;
	[tilespmem:$0x18080] =	vst v63  }
0xc1: {  	_ = 	snop  }
0xc2: {  	[tilespmem:s29], [sflag:$0x2] =	stream.indirect_vreg.gather [hbm4b:s4+s3], $0x80, v3, vm0, $0xb8;
	[tilespmem:$0x18080] =	vst v63  }
0xc3: {  	_ = 	snop  }
0xc4: {  	[tilespmem:s30], [sflag:$0x2] =	stream.indirect_vreg.gather [hbm4b:s5+s3], $0x80, v3, vm0, $0xb8;
	[tilespmem:$0x18080] =	vst v63  }
0xc5: {  	_ =	swait.ge [sflag:s31], $0xC000  }
0xc6: {  	[sflag:s31] =	ssyncset.done $0x0  }
0xc7: {  	s10 =	rddreg [dreg:$0x4];
	[sflag:s31] =	ssyncadd.s32 $0xFFFF4000  }
0xc8: {  	[hbm4b:s10+s3] =	stream.linear.scatter [tilespmem:s8], [sflag:$0x3], $0xC000, $0x38;
	[tilespmem:$0x18080] =	vst v63  }
0xc9: {  	_ =	swait.ge [sflag:s7], $0xC000  }
0xca: {  	[sflag:s7] =	ssyncset.done $0x0  }
0xcb: {  	[sflag:s7] =	ssyncadd.s32 $0xFFFF4000  }
0xcc: {  	_ =	swait.ge [sflag:s1], $0xC000  }
0xcd: {  	p0 =	sne.s32 s6, $0x1;
	[sflag:s1] =	ssyncset.done $0x0  }
.Ltmp0:
0xce: {  	s10 =	rddreg [dreg:$0x5];
	[sflag:s1] =	ssyncadd.s32 $0xFFFF4000;
	(pc) =	sbr.rel @p0 .LBB2_1-.Ltmp0, $4  }
0xcf: {  	[hbm4b:s10+s3] =	stream.linear.scatter [tilespmem:s9], [sflag:$0x3], $0xC000, $0x38;
	[tilespmem:$0x18080] =	vst v63  }
0xd0: {  	_ =	swait.ge [sflag:s7], $0xC000  }
0xd1: {  	[sflag:s7] =	ssyncset.done $0x0  }
0xd2: {  	s6 =	sadd.s32 $0xFFFFFFFF, s6;
	[sflag:s7] =	ssyncadd.s32 $0xFFFF4000  }
0xd3: {  	_ =	sfence.sel $0x180000  }
0xd4: {  	[bflag:$0x0] =	sbarrier.arrive $0xFFFF  }
0xd5: {  	_ =	strace $0x90000050  }
0xd6: {  	s0 =	stileid.u32;
	[bflag:$0x2] =	sbarrier.arrive $0xFFFF  }
0xd7: {  	p0 =	sne.s32 s0, $0x0;
	s0 =	rddreg [dreg:$0x2]  }
0xd8: {  	s0 =	sadd.s32 @!p0 $0x100000, s0  }
0xd9: {  	[sflag:s0] =	ssyncadd.tile.s32 @!p0 $0x1;
	_ =	shalt  }
.Lfunc_end2:
_tile_overlayer_lowered:
.L_overlay_start_2:
0xda: {  	(tag) =	ssettag $0x2  }
0xdb: {  	s0 =	rddreg [dreg:$0x0];
	s2 =	stileid.u32  }
0xdc: {  	s1 =	rddreg [dreg:$0x1];
	p0 =	sne.s32 s2, $0x0  }
0xdd: {  	s3 =	rddreg [dreg:$0x2];
	[bflag:$0x3] =	sbarrier.arrive $0xFFFF;
	s2 =	simm.s32 @!p0 $0x1C03  }
0xde: {  	[timem:s3], [sflag:s2] =	dma.local @!p0 [hbm:s0], s1  }
0xdf: {  	s0 =	simm.s32 @!p0 $0x3  }
0xe0: {  	_ =	swait.ge @!p0 [sflag:s0], s1  }
0xe1: {  	s1 =	ssub.s32 @!p0 $0x0, s1;
	[sflag:s0] =	ssyncset.done @!p0 $0x0  }
0xe2: {  	[sflag:s0] =	ssyncadd.s32 @!p0 s1  }
0xe3: {  	[bflag:$0x3] =	sbarrier.arrive $0xFFFF  }
0xe4: {  	_ =	shalt  }

</sc_bundles>
